<compile_context>
chip_gen: v7x
topology: tpu7x:2x2x1
jax: 0.10.2.dev20260603
libtpu: 0.0.44.dev20260713+nightly
codegen_flags: <defaults>
</compile_context>

<pallas_src>
import functools

import jax
import jax.numpy as jnp
from jax import lax
from jax.experimental import pallas as pl
from jax.experimental.pallas import tpu as pltpu
from jax.experimental.pallas import tpu_sc as plsc

NC = 2
NS = 16
NW = NC * NS
LANES = 16
CHUNK = 64
NBUF = 3
LEAD = 2
ROW_BLK = 1024


def _ceil_to(v, m):
  return (v + m - 1) // m * m


def _make_deg_kernel(spw, rt):
  mesh = plsc.VectorSubcoreMesh(core_axis_name="c", subcore_axis_name="s")
  rpt = rt // NS

  @functools.partial(
      pl.kernel,
      mesh=mesh,
      out_type=jax.ShapeDtypeStruct((NC * rt,), jnp.float32),
      scratch_types=[
          pltpu.VMEM((spw,), jnp.int32),
          pltpu.VMEM((rt,), jnp.float32),
          pltpu.VMEM((NS * rpt,), jnp.float32),
          pltpu.VMEM((rpt,), jnp.float32),
          pltpu.VMEM_SHARED((NS * rt,), jnp.float32),
      ],
      compiler_params=pltpu.CompilerParams(needs_layout_passes=False),
  )
  def deg_kernel(dst_hbm, out_hbm, idx_v, tbl_v, stage_v, red_v, tbls_s):
    cid = lax.axis_index("c")
    sid = lax.axis_index("s")
    wid = sid * NC + cid
    pltpu.sync_copy(dst_hbm.at[pl.ds(wid * spw, spw)], idx_v)

    zeros16 = jnp.zeros((LANES,), jnp.float32)
    ones16 = jnp.ones((LANES,), jnp.float32)

    def zero_body(i, _):
      tbl_v[pl.ds(i * LANES, LANES)] = zeros16
      return 0

    lax.fori_loop(0, rt // LANES, zero_body, 0)

    def count_body(i, _):
      idx = idx_v[pl.ds(i * LANES, LANES)]
      plsc.addupdate_scatter(tbl_v, [idx], ones16)
      return 0

    lax.fori_loop(0, spw // LANES, count_body, 0)
    pltpu.sync_copy(tbl_v, tbls_s.at[pl.ds(sid * rt, rt)])
    plsc.subcore_barrier()

    for k in range(NS):
      pltpu.sync_copy(tbls_s.at[pl.ds(k * rt + sid * rpt, rpt)],
                      stage_v.at[pl.ds(k * rpt, rpt)])

    def red_body(i, _):
      acc = zeros16
      for k in range(NS):
        acc = acc + stage_v[pl.ds(k * rpt + i * LANES, LANES)]
      red_v[pl.ds(i * LANES, LANES)] = acc
      return 0

    lax.fori_loop(0, rpt // LANES, red_body, 0)
    pltpu.sync_copy(red_v, out_hbm.at[pl.ds(cid * rt + sid * rpt, rpt)])

  return deg_kernel


def _make_agg_kernel(cpw, rt, dh):
  mesh = plsc.VectorSubcoreMesh(core_axis_name="c", subcore_axis_name="s")
  rpt = rt // NS
  assert cpw % NBUF == 0 and cpw > NBUF

  @functools.partial(
      pl.kernel,
      mesh=mesh,
      out_type=jax.ShapeDtypeStruct((NC * rt, dh), jnp.float32),
      scratch_types=[
          pltpu.VMEM((cpw * CHUNK,), jnp.int32),
          pltpu.VMEM((cpw, CHUNK), jnp.int32),
          pltpu.VMEM((NBUF, CHUNK, dh), jnp.float32),
          pltpu.VMEM_SHARED((rt, dh), jnp.float32),
          pltpu.SemaphoreType.DMA,
          pltpu.SemaphoreType.DMA,
          pltpu.SemaphoreType.DMA,
          pltpu.SemaphoreType.DMA,
          pltpu.SemaphoreType.DMA,
          pltpu.SemaphoreType.DMA,
      ],
      compiler_params=pltpu.CompilerParams(needs_layout_passes=False),
  )
  def agg_kernel(hs_hbm, src_hbm, dst_hbm, zeros_hbm, out_hbm,
                 src_v, dst_v, rows_v, acc_s, *sems):
    gsem = sems[:NBUF]
    ssem = sems[NBUF:]
    cid = lax.axis_index("c")
    sid = lax.axis_index("s")
    wid = sid * NC + cid

    pltpu.sync_copy(zeros_hbm, acc_s.at[pl.ds(sid * rpt, rpt)])
    pltpu.sync_copy(src_hbm.at[pl.ds(wid * cpw * CHUNK, cpw * CHUNK)], src_v)
    pltpu.sync_copy(dst_hbm.at[wid], dst_v)
    plsc.subcore_barrier()

    def gather(j, b):
      pltpu.async_copy(hs_hbm.at[src_v.at[pl.ds(j * CHUNK, CHUNK)]],
                       rows_v.at[b], gsem[b])

    def scatter(j, b):
      pltpu.async_copy(rows_v.at[b], acc_s.at[dst_v.at[j]], ssem[b],
                       add=True)

    for b in range(LEAD):
      gather(b, b)

    def round_body(g, _):
      for b in range(NBUF):
        j = g * NBUF + b
        pltpu.make_async_copy(
            hs_hbm.at[src_v.at[pl.ds(j * CHUNK, CHUNK)]],
            rows_v.at[b], gsem[b]).wait()
        scatter(j, b)
        jn = j + LEAD
        bn = (b + LEAD) % NBUF

        @pl.when(jn < cpw)
        def _():
          @pl.when(jn >= NBUF)
          def _():
            pltpu.make_async_copy(
                rows_v.at[bn], acc_s.at[dst_v.at[j]], ssem[bn]).wait()
          gather(jn, bn)

      return 0

    lax.fori_loop(0, cpw // NBUF, round_body, 0)

    for b in range(NBUF):
      pltpu.make_async_copy(rows_v.at[b], acc_s.at[dst_v.at[0]],
                            ssem[b]).wait()
    plsc.subcore_barrier()

    pltpu.sync_copy(
        acc_s.at[pl.ds(sid * rpt, rpt)],
        out_hbm.at[pl.ds(cid * rt + sid * rpt, rpt)],
    )

  return agg_kernel


def _split_body(ei_ref, src_ref, dst_ref):
  src_ref[...] = ei_ref[0, :]
  dst_ref[...] = ei_ref[1, :]


def _mm_body(x_ref, w_ref, h_ref):
  h_ref[...] = jnp.dot(x_ref[...].astype(jnp.bfloat16),
                       w_ref[...].astype(jnp.bfloat16),
                       preferred_element_type=jnp.float32)


def _dinv_from(degp_ref, i):
  rt = degp_ref.shape[0] // NC
  deg = 1.0 + degp_ref[pl.ds(i * ROW_BLK, ROW_BLK)]
  for c in range(1, NC):
    deg = deg + degp_ref[pl.ds(c * rt + i * ROW_BLK, ROW_BLK)]
  return lax.rsqrt(deg)


def _scale_body(h_ref, degp_ref, hs_ref):
  dinv = _dinv_from(degp_ref, pl.program_id(0))
  hs_ref[...] = h_ref[...] * dinv[:, None]


def _leaky(v):
  return jnp.where(v >= 0.0, v, 0.01 * v)


def _tail_body(p0_ref, p1_ref, hs_ref, degp_ref, bg_ref, w1_ref, b1_ref,
               w3_ref, b3_ref, out_ref):
  dinv = _dinv_from(degp_ref, pl.program_id(0))
  agg = p0_ref[...] + p1_ref[...] + hs_ref[...]
  g1 = _leaky(agg * dinv[:, None] + bg_ref[...][None, :])
  l1 = _leaky(
      jnp.dot(g1, w1_ref[...], preferred_element_type=jnp.float32)
      + b1_ref[...][None, :])
  res = (
      jnp.dot(l1, w3_ref[...], preferred_element_type=jnp.float32)
      + b3_ref[...][None, :])
  out_ref[...] = res.T


def kernel(x, edge_index, batch, W_gcn, b_gcn, W1, b1, W3, b3):
  n, din = x.shape
  dh = W_gcn.shape[1]
  lat = W1.shape[1]
  e = edge_index.shape[1]

  rt = _ceil_to(n + LANES, 512)
  cpw = _ceil_to(-(-e // (NW * CHUNK)), NBUF)
  ep = NW * CHUNK * cpw
  spw = cpw * CHUNK

  src_e, dst_e = pl.pallas_call(
      _split_body,
      out_shape=[
          jax.ShapeDtypeStruct((e,), jnp.int32),
          jax.ShapeDtypeStruct((e,), jnp.int32),
      ],
  )(edge_index)

  pad_idx = jnp.arange(ep - e, dtype=jnp.int32)
  src = jnp.concatenate([src_e, pad_idx % n])
  dst = jnp.concatenate([dst_e, n + pad_idx % (rt - n)])
  dst3 = dst.reshape(NW, cpw, CHUNK)

  zeros_tile = jnp.zeros((rt // NS, dh), jnp.float32)

  deg_partials = _make_deg_kernel(spw, rt)(dst)

  grid = (-(-n // ROW_BLK),)
  h = pl.pallas_call(
      _mm_body,
      grid=grid,
      in_specs=[
          pl.BlockSpec((ROW_BLK, din), lambda i: (i, 0)),
          pl.BlockSpec((din, dh), lambda i: (0, 0)),
      ],
      out_specs=pl.BlockSpec((ROW_BLK, dh), lambda i: (i, 0)),
      out_shape=jax.ShapeDtypeStruct((n, dh), jnp.float32),
  )(x, W_gcn)

  hs = pl.pallas_call(
      _scale_body,
      grid=grid,
      in_specs=[
          pl.BlockSpec((ROW_BLK, dh), lambda i: (i, 0)),
          pl.BlockSpec((NC * rt,), lambda i: (0,)),
      ],
      out_specs=pl.BlockSpec((ROW_BLK, dh), lambda i: (i, 0)),
      out_shape=jax.ShapeDtypeStruct((n, dh), jnp.float32),
  )(h, deg_partials)

  partials = _make_agg_kernel(cpw, rt, dh)(hs, src, dst3, zeros_tile)

  nb = rt // ROW_BLK
  out_t = pl.pallas_call(
      _tail_body,
      grid=grid,
      in_specs=[
          pl.BlockSpec((ROW_BLK, dh), lambda i: (i, 0)),
          pl.BlockSpec((ROW_BLK, dh), lambda i: (nb + i, 0)),
          pl.BlockSpec((ROW_BLK, dh), lambda i: (i, 0)),
          pl.BlockSpec((NC * rt,), lambda i: (0,)),
          pl.BlockSpec((dh,), lambda i: (0,)),
          pl.BlockSpec((dh, lat), lambda i: (0, 0)),
          pl.BlockSpec((lat,), lambda i: (0,)),
          pl.BlockSpec((lat, lat), lambda i: (0, 0)),
          pl.BlockSpec((lat,), lambda i: (0,)),
      ],
      out_specs=pl.BlockSpec((lat, ROW_BLK), lambda i: (0, i)),
      out_shape=jax.ShapeDtypeStruct((lat, n), jnp.float32),
  )(partials, partials, hs, deg_partials, b_gcn, W1, b1, W3, b3)

  return out_t.T

# --- scband reference (transcript-rebuilt; emitter-appended) ---
"""Pipeline reference for scband-variational-encoder-6399501271413 (READ-ONLY COPY).

The authoritative reference and input builder live on the scoring server;
editing this copy changes nothing except your own understanding.
"""

import jax, jax.numpy as jnp
import numpy as np

N = 10000
E = 160000
DIN = 256
DH = 128  # dim_h // 2
LAT = 64


def setup_inputs(seed: int = 0) -> dict:
    key = jax.random.key(seed)
    ks = jax.random.split(key, 9)
    x = jax.random.normal(ks[0], (N, DIN), dtype=jnp.float32)
    edge_index = jax.random.randint(ks[1], (2, E), 0, N, dtype=jnp.int32)
    batch = jnp.sort(jax.random.randint(ks[2], (N,), 0, 32, dtype=jnp.int32))
    # GCNConv params (PyG-style: weight [in, out], bias added after aggregation)
    W_gcn = jax.random.normal(ks[3], (DIN, DH), dtype=jnp.float32) * (1.0 / np.sqrt(DIN))
    b_gcn = jnp.zeros((DH,), dtype=jnp.float32)
    W1 = jax.random.normal(ks[4], (DH, LAT), dtype=jnp.float32) * (1.0 / np.sqrt(DH))
    b1 = jax.random.normal(ks[5], (LAT,), dtype=jnp.float32) * 0.01
    W3 = jax.random.normal(ks[6], (LAT, LAT), dtype=jnp.float32) * (1.0 / np.sqrt(LAT))
    b3 = jax.random.normal(ks[7], (LAT,), dtype=jnp.float32) * 0.01
    return {"x": x, "edge_index": edge_index, "batch": batch,
            "W_gcn": W_gcn, "b_gcn": b_gcn, "W1": W1, "b1": b1, "W3": W3, "b3": b3}


def _gcn_conv(x, edge_index, W, b):
    n = x.shape[0]
    src = edge_index[0]
    dst = edge_index[1]
    # add self-loops (PyG default add_self_loops=True)
    loop = jnp.arange(n, dtype=src.dtype)
    src = jnp.concatenate([src, loop])
    dst = jnp.concatenate([dst, loop])
    # symmetric normalization deg^{-1/2}[src] * deg^{-1/2}[dst]
    deg = jnp.zeros((n,), dtype=x.dtype).at[dst].add(1.0)
    dinv = jnp.where(deg > 0, jax.lax.rsqrt(deg), 0.0)
    norm = dinv[src] * dinv[dst]
    h = x @ W
    msg = h[src] * norm[:, None]
    out = jnp.zeros((n, W.shape[1]), dtype=x.dtype).at[dst].add(msg)
    return out + b


def reference(x, edge_index, batch, W_gcn, b_gcn, W1, b1, W3, b3):
    g1 = jax.nn.leaky_relu(_gcn_conv(x, edge_index, W_gcn, b_gcn), negative_slope=0.01)
    l1 = jax.nn.leaky_relu(g1 @ W1 + b1, negative_slope=0.01)
    l3 = l1 @ W3 + b3
    return l3

if __name__ == "__main__":
    import jax
    _d = setup_inputs()
    print(jax.jit(kernel)(*tuple(_d.values())))

</pallas_src>

<mosaic_0001>
#map = affine_map<(d0, d1) -> (0)>
module attributes {stable_mosaic.version = 14 : i64} {
  func.func @deg_kernel(%arg0: i32, %arg1: i32, %arg2: memref<165888xi32, #tpu.memory_space<hbm>>, %arg3: memref<20480xf32, #tpu.memory_space<hbm>>, %arg4: memref<5184xi32, #tpu.memory_space<vmem>>, %arg5: memref<10240xf32, #tpu.memory_space<vmem>>, %arg6: memref<10240xf32, #tpu.memory_space<vmem>>, %arg7: memref<640xf32, #tpu.memory_space<vmem>>, %arg8: memref<163840xf32, #tpu.memory_space<vmem_shared>>) attributes {dimension_semantics = [#tpu.dimension_semantics<core_parallel>, #tpu.dimension_semantics<subcore_parallel>], iteration_bounds = array<i64: 2, 16>, scalar_prefetch = 0 : i64, scratch_operands = 5 : i64, tpu.core_type = #tpu.core_type<sc_vector_subcore>, window_params = [{transform_indices = #map}, {transform_indices = #map}]} {
    %mul3A = arith.constant 2 : i32
    %mul3A_0 = arith.muli %arg1, %mul3A : i32
    %add3A = arith.addi %mul3A_0, %arg0 : i32
    %mul3A_1 = arith.constant 5184 : i32
    %mul3A_2 = arith.muli %add3A, %mul3A_1 : i32
    "tpu.region"() ({
      %run_scoped3A = tpu.sem_alloc : memref<!tpu.dma_semaphore, #tpu.memory_space<semaphore_mem>>
      %dma_start3A = tpu.memref_slice %arg2[%mul3A_2] : memref<165888xi32, #tpu.memory_space<hbm>> -> memref<5184xi32, #tpu.memory_space<hbm>>
      %dma_start3A_97 = tpu.memref_slice %arg2[%mul3A_2] : memref<165888xi32, #tpu.memory_space<hbm>> -> memref<5184xi32, #tpu.memory_space<hbm>>
      tpu.enqueue_dma source(%dma_start3A_97 : memref<5184xi32, #tpu.memory_space<hbm>>) target(%arg4 : memref<5184xi32, #tpu.memory_space<vmem>>) target_semaphore(%run_scoped3A : memref<!tpu.dma_semaphore, #tpu.memory_space<semaphore_mem>>)
      %dma_wait3A = tpu.memref_slice %arg2[%mul3A_2] : memref<165888xi32, #tpu.memory_space<hbm>> -> memref<5184xi32, #tpu.memory_space<hbm>>
      %dma_wait3A_98 = tpu.memref_slice %arg2[%mul3A_2] : memref<165888xi32, #tpu.memory_space<hbm>> -> memref<5184xi32, #tpu.memory_space<hbm>>
      tpu.wait_dma2 semaphore(%run_scoped3A : memref<!tpu.dma_semaphore, #tpu.memory_space<semaphore_mem>>) src(%dma_wait3A_98 : memref<5184xi32, #tpu.memory_space<hbm>>) dst(%arg4 : memref<5184xi32, #tpu.memory_space<vmem>>)
      tpu.yield
    }) : () -> ()
    %broadcast_in_dim3A = arith.constant 0.000000e+00 : f32
    %broadcast_in_dim3A_3 = vector.broadcast %broadcast_in_dim3A : f32 to vector<16xf32>
    %broadcast_in_dim3A_4 = arith.constant 1.000000e+00 : f32
    %broadcast_in_dim3A_5 = vector.broadcast %broadcast_in_dim3A_4 : f32 to vector<16xf32>
    %scan3A = arith.constant 0 : i32
    %scan3A_6 = arith.constant 0 : i32
    %scan3A_7 = arith.constant 640 : i32
    %scan3A_8 = arith.addi %scan3A_6, %scan3A_7 : i32
    %scan3A_9 = arith.constant 1 : i32
    %scan3A_10 = scf.for %scan3A_97 = %scan3A_6 to %scan3A_8 step %scan3A_9 iter_args(%scan3A_98 = %scan3A) -> (i32)  : i32 {
      %mul3A_99 = arith.constant 16 : i32
      %mul3A_100 = arith.muli %scan3A_97, %mul3A_99 : i32
      %swap3A = arith.index_cast %mul3A_100 : i32 to index
      %swap3A_101 = tpu.vector_load %arg5[%swap3A] {strides = array<i32>} : memref<10240xf32, #tpu.memory_space<vmem>>, vector<16xf32>,
      tpu.vector_store %arg5[%swap3A], %broadcast_in_dim3A_3 {strides = array<i32>} : memref<10240xf32, #tpu.memory_space<vmem>>, vector<16xf32>,
      %scan3A_102 = arith.constant 0 : i32
      scf.yield %scan3A_102 : i32
    }
    %scan3A_11 = arith.constant 640 : i32
    %scan3A_12 = arith.constant 0 : i32
    %scan3A_13 = arith.constant 0 : i32
    %scan3A_14 = arith.constant 324 : i32
    %scan3A_15 = arith.addi %scan3A_13, %scan3A_14 : i32
    %scan3A_16 = arith.constant 1 : i32
    %scan3A_17 = scf.for %scan3A_97 = %scan3A_13 to %scan3A_15 step %scan3A_16 iter_args(%scan3A_98 = %scan3A_12) -> (i32)  : i32 {
      %mul3A_99 = arith.constant 16 : i32
      %mul3A_100 = arith.muli %scan3A_97, %mul3A_99 : i32
      %get3A = arith.index_cast %mul3A_100 : i32 to index
      %get3A_101 = tpu.vector_load %arg4[%get3A] {strides = array<i32>} : memref<5184xi32, #tpu.memory_space<vmem>>, vector<16xi32>,
      tpu.vector_store_idx %arg5[%get3A_101], %broadcast_in_dim3A_5 {add = true} : memref<10240xf32, #tpu.memory_space<vmem>>[vector<16xi32>], vector<16xf32>,
      %scan3A_102 = arith.constant 0 : i32
      scf.yield %scan3A_102 : i32
    }
    %scan3A_18 = arith.constant 324 : i32
    %mul3A_19 = arith.constant 10240 : i32
    %mul3A_20 = arith.muli %arg1, %mul3A_19 : i32
    "tpu.region"() ({
      %run_scoped3A = tpu.sem_alloc : memref<!tpu.dma_semaphore, #tpu.memory_space<semaphore_mem>>
      %dma_start3A = tpu.memref_slice %arg8[%mul3A_20] : memref<163840xf32, #tpu.memory_space<vmem_shared>> -> memref<10240xf32, #tpu.memory_space<vmem_shared>>
      %dma_start3A_97 = tpu.memref_slice %arg8[%mul3A_20] : memref<163840xf32, #tpu.memory_space<vmem_shared>> -> memref<10240xf32, #tpu.memory_space<vmem_shared>>
      tpu.enqueue_dma source(%arg5 : memref<10240xf32, #tpu.memory_space<vmem>>) target(%dma_start3A_97 : memref<10240xf32, #tpu.memory_space<vmem_shared>>) target_semaphore(%run_scoped3A : memref<!tpu.dma_semaphore, #tpu.memory_space<semaphore_mem>>)
      %dma_wait3A = tpu.memref_slice %arg8[%mul3A_20] : memref<163840xf32, #tpu.memory_space<vmem_shared>> -> memref<10240xf32, #tpu.memory_space<vmem_shared>>
      %dma_wait3A_98 = tpu.memref_slice %arg8[%mul3A_20] : memref<163840xf32, #tpu.memory_space<vmem_shared>> -> memref<10240xf32, #tpu.memory_space<vmem_shared>>
      tpu.wait_dma2 semaphore(%run_scoped3A : memref<!tpu.dma_semaphore, #tpu.memory_space<semaphore_mem>>) src(%arg5 : memref<10240xf32, #tpu.memory_space<vmem>>) dst(%dma_wait3A_98 : memref<10240xf32, #tpu.memory_space<vmem_shared>>)
      tpu.yield
    }) : () -> ()
    %barrier3A = arith.constant 0 : index
    tpu.barrier barrier_id(%barrier3A)
    %mul3A_21 = arith.constant 640 : i32
    %mul3A_22 = arith.muli %arg1, %mul3A_21 : i32
    %add3A_23 = arith.constant 0 : i32
    %add3A_24 = arith.addi %add3A_23, %mul3A_22 : i32
    "tpu.region"() ({
      %run_scoped3A = tpu.sem_alloc : memref<!tpu.dma_semaphore, #tpu.memory_space<semaphore_mem>>
      %dma_start3A = arith.constant 0 : i32
      %dma_start3A_97 = tpu.memref_slice %arg6[%dma_start3A] : memref<10240xf32, #tpu.memory_space<vmem>> -> memref<640xf32, #tpu.memory_space<vmem>>
      %dma_start3A_98 = tpu.memref_slice %arg8[%add3A_24] : memref<163840xf32, #tpu.memory_space<vmem_shared>> -> memref<640xf32, #tpu.memory_space<vmem_shared>>
      %dma_start3A_99 = arith.constant 0 : i32
      %dma_start3A_100 = tpu.memref_slice %arg6[%dma_start3A_99] : memref<10240xf32, #tpu.memory_space<vmem>> -> memref<640xf32, #tpu.memory_space<vmem>>
      %dma_start3A_101 = tpu.memref_slice %arg8[%add3A_24] : memref<163840xf32, #tpu.memory_space<vmem_shared>> -> memref<640xf32, #tpu.memory_space<vmem_shared>>
      tpu.enqueue_dma source(%dma_start3A_101 : memref<640xf32, #tpu.memory_space<vmem_shared>>) target(%dma_start3A_100 : memref<640xf32, #tpu.memory_space<vmem>>) target_semaphore(%run_scoped3A : memref<!tpu.dma_semaphore, #tpu.memory_space<semaphore_mem>>)
      %dma_wait3A = arith.constant 0 : i32
      %dma_wait3A_102 = tpu.memref_slice %arg6[%dma_wait3A] : memref<10240xf32, #tpu.memory_space<vmem>> -> memref<640xf32, #tpu.memory_space<vmem>>
      %dma_wait3A_103 = tpu.memref_slice %arg8[%add3A_24] : memref<163840xf32, #tpu.memory_space<vmem_shared>> -> memref<640xf32, #tpu.memory_space<vmem_shared>>
      %dma_wait3A_104 = arith.constant 0 : i32
      %dma_wait3A_105 = tpu.memref_slice %arg6[%dma_wait3A_104] : memref<10240xf32, #tpu.memory_space<vmem>> -> memref<640xf32, #tpu.memory_space<vmem>>
      %dma_wait3A_106 = tpu.memref_slice %arg8[%add3A_24] : memref<163840xf32, #tpu.memory_space<vmem_shared>> -> memref<640xf32, #tpu.memory_space<vmem_shared>>
      tpu.wait_dma2 semaphore(%run_scoped3A : memref<!tpu.dma_semaphore, #tpu.memory_space<semaphore_mem>>) src(%dma_wait3A_106 : memref<640xf32, #tpu.memory_space<vmem_shared>>) dst(%dma_wait3A_105 : memref<640xf32, #tpu.memory_space<vmem>>)
      tpu.yield
    }) : () -> ()
    %mul3A_25 = arith.constant 640 : i32
    %mul3A_26 = arith.muli %arg1, %mul3A_25 : i32
    %add3A_27 = arith.constant 10240 : i32
    %add3A_28 = arith.addi %add3A_27, %mul3A_26 : i32
    "tpu.region"() ({
      %run_scoped3A = tpu.sem_alloc : memref<!tpu.dma_semaphore, #tpu.memory_space<semaphore_mem>>
      %dma_start3A = arith.constant 640 : i32
      %dma_start3A_97 = tpu.memref_slice %arg6[%dma_start3A] : memref<10240xf32, #tpu.memory_space<vmem>> -> memref<640xf32, #tpu.memory_space<vmem>>
      %dma_start3A_98 = tpu.memref_slice %arg8[%add3A_28] : memref<163840xf32, #tpu.memory_space<vmem_shared>> -> memref<640xf32, #tpu.memory_space<vmem_shared>>
      %dma_start3A_99 = arith.constant 640 : i32
      %dma_start3A_100 = tpu.memref_slice %arg6[%dma_start3A_99] : memref<10240xf32, #tpu.memory_space<vmem>> -> memref<640xf32, #tpu.memory_space<vmem>>
      %dma_start3A_101 = tpu.memref_slice %arg8[%add3A_28] : memref<163840xf32, #tpu.memory_space<vmem_shared>> -> memref<640xf32, #tpu.memory_space<vmem_shared>>
      tpu.enqueue_dma source(%dma_start3A_101 : memref<640xf32, #tpu.memory_space<vmem_shared>>) target(%dma_start3A_100 : memref<640xf32, #tpu.memory_space<vmem>>) target_semaphore(%run_scoped3A : memref<!tpu.dma_semaphore, #tpu.memory_space<semaphore_mem>>)
      %dma_wait3A = arith.constant 640 : i32
      %dma_wait3A_102 = tpu.memref_slice %arg6[%dma_wait3A] : memref<10240xf32, #tpu.memory_space<vmem>> -> memref<640xf32, #tpu.memory_space<vmem>>
      %dma_wait3A_103 = tpu.memref_slice %arg8[%add3A_28] : memref<163840xf32, #tpu.memory_space<vmem_shared>> -> memref<640xf32, #tpu.memory_space<vmem_shared>>
      %dma_wait3A_104 = arith.constant 640 : i32
      %dma_wait3A_105 = tpu.memref_slice %arg6[%dma_wait3A_104] : memref<10240xf32, #tpu.memory_space<vmem>> -> memref<640xf32, #tpu.memory_space<vmem>>
      %dma_wait3A_106 = tpu.memref_slice %arg8[%add3A_28] : memref<163840xf32, #tpu.memory_space<vmem_shared>> -> memref<640xf32, #tpu.memory_space<vmem_shared>>
      tpu.wait_dma2 semaphore(%run_scoped3A : memref<!tpu.dma_semaphore, #tpu.memory_space<semaphore_mem>>) src(%dma_wait3A_106 : memref<640xf32, #tpu.memory_space<vmem_shared>>) dst(%dma_wait3A_105 : memref<640xf32, #tpu.memory_space<vmem>>)
      tpu.yield
    }) : () -> ()
    %mul3A_29 = arith.constant 640 : i32
    %mul3A_30 = arith.muli %arg1, %mul3A_29 : i32
    %add3A_31 = arith.constant 20480 : i32
    %add3A_32 = arith.addi %add3A_31, %mul3A_30 : i32
    "tpu.region"() ({
      %run_scoped3A = tpu.sem_alloc : memref<!tpu.dma_semaphore, #tpu.memory_space<semaphore_mem>>
      %dma_start3A = arith.constant 1280 : i32
      %dma_start3A_97 = tpu.memref_slice %arg6[%dma_start3A] : memref<10240xf32, #tpu.memory_space<vmem>> -> memref<640xf32, #tpu.memory_space<vmem>>
      %dma_start3A_98 = tpu.memref_slice %arg8[%add3A_32] : memref<163840xf32, #tpu.memory_space<vmem_shared>> -> memref<640xf32, #tpu.memory_space<vmem_shared>>
      %dma_start3A_99 = arith.constant 1280 : i32
      %dma_start3A_100 = tpu.memref_slice %arg6[%dma_start3A_99] : memref<10240xf32, #tpu.memory_space<vmem>> -> memref<640xf32, #tpu.memory_space<vmem>>
      %dma_start3A_101 = tpu.memref_slice %arg8[%add3A_32] : memref<163840xf32, #tpu.memory_space<vmem_shared>> -> memref<640xf32, #tpu.memory_space<vmem_shared>>
      tpu.enqueue_dma source(%dma_start3A_101 : memref<640xf32, #tpu.memory_space<vmem_shared>>) target(%dma_start3A_100 : memref<640xf32, #tpu.memory_space<vmem>>) target_semaphore(%run_scoped3A : memref<!tpu.dma_semaphore, #tpu.memory_space<semaphore_mem>>)
      %dma_wait3A = arith.constant 1280 : i32
      %dma_wait3A_102 = tpu.memref_slice %arg6[%dma_wait3A] : memref<10240xf32, #tpu.memory_space<vmem>> -> memref<640xf32, #tpu.memory_space<vmem>>
      %dma_wait3A_103 = tpu.memref_slice %arg8[%add3A_32] : memref<163840xf32, #tpu.memory_space<vmem_shared>> -> memref<640xf32, #tpu.memory_space<vmem_shared>>
      %dma_wait3A_104 = arith.constant 1280 : i32
      %dma_wait3A_105 = tpu.memref_slice %arg6[%dma_wait3A_104] : memref<10240xf32, #tpu.memory_space<vmem>> -> memref<640xf32, #tpu.memory_space<vmem>>
      %dma_wait3A_106 = tpu.memref_slice %arg8[%add3A_32] : memref<163840xf32, #tpu.memory_space<vmem_shared>> -> memref<640xf32, #tpu.memory_space<vmem_shared>>
      tpu.wait_dma2 semaphore(%run_scoped3A : memref<!tpu.dma_semaphore, #tpu.memory_space<semaphore_mem>>) src(%dma_wait3A_106 : memref<640xf32, #tpu.memory_space<vmem_shared>>) dst(%dma_wait3A_105 : memref<640xf32, #tpu.memory_space<vmem>>)
      tpu.yield
    }) : () -> ()
    %mul3A_33 = arith.constant 640 : i32
    %mul3A_34 = arith.muli %arg1, %mul3A_33 : i32
    %add3A_35 = arith.constant 30720 : i32
    %add3A_36 = arith.addi %add3A_35, %mul3A_34 : i32
    "tpu.region"() ({
      %run_scoped3A = tpu.sem_alloc : memref<!tpu.dma_semaphore, #tpu.memory_space<semaphore_mem>>
      %dma_start3A = arith.constant 1920 : i32
      %dma_start3A_97 = tpu.memref_slice %arg6[%dma_start3A] : memref<10240xf32, #tpu.memory_space<vmem>> -> memref<640xf32, #tpu.memory_space<vmem>>
      %dma_start3A_98 = tpu.memref_slice %arg8[%add3A_36] : memref<163840xf32, #tpu.memory_space<vmem_shared>> -> memref<640xf32, #tpu.memory_space<vmem_shared>>
      %dma_start3A_99 = arith.constant 1920 : i32
      %dma_start3A_100 = tpu.memref_slice %arg6[%dma_start3A_99] : memref<10240xf32, #tpu.memory_space<vmem>> -> memref<640xf32, #tpu.memory_space<vmem>>
      %dma_start3A_101 = tpu.memref_slice %arg8[%add3A_36] : memref<163840xf32, #tpu.memory_space<vmem_shared>> -> memref<640xf32, #tpu.memory_space<vmem_shared>>
      tpu.enqueue_dma source(%dma_start3A_101 : memref<640xf32, #tpu.memory_space<vmem_shared>>) target(%dma_start3A_100 : memref<640xf32, #tpu.memory_space<vmem>>) target_semaphore(%run_scoped3A : memref<!tpu.dma_semaphore, #tpu.memory_space<semaphore_mem>>)
      %dma_wait3A = arith.constant 1920 : i32
      %dma_wait3A_102 = tpu.memref_slice %arg6[%dma_wait3A] : memref<10240xf32, #tpu.memory_space<vmem>> -> memref<640xf32, #tpu.memory_space<vmem>>
      %dma_wait3A_103 = tpu.memref_slice %arg8[%add3A_36] : memref<163840xf32, #tpu.memory_space<vmem_shared>> -> memref<640xf32, #tpu.memory_space<vmem_shared>>
      %dma_wait3A_104 = arith.constant 1920 : i32
      %dma_wait3A_105 = tpu.memref_slice %arg6[%dma_wait3A_104] : memref<10240xf32, #tpu.memory_space<vmem>> -> memref<640xf32, #tpu.memory_space<vmem>>
      %dma_wait3A_106 = tpu.memref_slice %arg8[%add3A_36] : memref<163840xf32, #tpu.memory_space<vmem_shared>> -> memref<640xf32, #tpu.memory_space<vmem_shared>>
      tpu.wait_dma2 semaphore(%run_scoped3A : memref<!tpu.dma_semaphore, #tpu.memory_space<semaphore_mem>>) src(%dma_wait3A_106 : memref<640xf32, #tpu.memory_space<vmem_shared>>) dst(%dma_wait3A_105 : memref<640xf32, #tpu.memory_space<vmem>>)
      tpu.yield
    }) : () -> ()
    %mul3A_37 = arith.constant 640 : i32
    %mul3A_38 = arith.muli %arg1, %mul3A_37 : i32
    %add3A_39 = arith.constant 40960 : i32
    %add3A_40 = arith.addi %add3A_39, %mul3A_38 : i32
    "tpu.region"() ({
      %run_scoped3A = tpu.sem_alloc : memref<!tpu.dma_semaphore, #tpu.memory_space<semaphore_mem>>
      %dma_start3A = arith.constant 2560 : i32
      %dma_start3A_97 = tpu.memref_slice %arg6[%dma_start3A] : memref<10240xf32, #tpu.memory_space<vmem>> -> memref<640xf32, #tpu.memory_space<vmem>>
      %dma_start3A_98 = tpu.memref_slice %arg8[%add3A_40] : memref<163840xf32, #tpu.memory_space<vmem_shared>> -> memref<640xf32, #tpu.memory_space<vmem_shared>>
      %dma_start3A_99 = arith.constant 2560 : i32
      %dma_start3A_100 = tpu.memref_slice %arg6[%dma_start3A_99] : memref<10240xf32, #tpu.memory_space<vmem>> -> memref<640xf32, #tpu.memory_space<vmem>>
      %dma_start3A_101 = tpu.memref_slice %arg8[%add3A_40] : memref<163840xf32, #tpu.memory_space<vmem_shared>> -> memref<640xf32, #tpu.memory_space<vmem_shared>>
      tpu.enqueue_dma source(%dma_start3A_101 : memref<640xf32, #tpu.memory_space<vmem_shared>>) target(%dma_start3A_100 : memref<640xf32, #tpu.memory_space<vmem>>) target_semaphore(%run_scoped3A : memref<!tpu.dma_semaphore, #tpu.memory_space<semaphore_mem>>)
      %dma_wait3A = arith.constant 2560 : i32
      %dma_wait3A_102 = tpu.memref_slice %arg6[%dma_wait3A] : memref<10240xf32, #tpu.memory_space<vmem>> -> memref<640xf32, #tpu.memory_space<vmem>>
      %dma_wait3A_103 = tpu.memref_slice %arg8[%add3A_40] : memref<163840xf32, #tpu.memory_space<vmem_shared>> -> memref<640xf32, #tpu.memory_space<vmem_shared>>
      %dma_wait3A_104 = arith.constant 2560 : i32
      %dma_wait3A_105 = tpu.memref_slice %arg6[%dma_wait3A_104] : memref<10240xf32, #tpu.memory_space<vmem>> -> memref<640xf32, #tpu.memory_space<vmem>>
      %dma_wait3A_106 = tpu.memref_slice %arg8[%add3A_40] : memref<163840xf32, #tpu.memory_space<vmem_shared>> -> memref<640xf32, #tpu.memory_space<vmem_shared>>
      tpu.wait_dma2 semaphore(%run_scoped3A : memref<!tpu.dma_semaphore, #tpu.memory_space<semaphore_mem>>) src(%dma_wait3A_106 : memref<640xf32, #tpu.memory_space<vmem_shared>>) dst(%dma_wait3A_105 : memref<640xf32, #tpu.memory_space<vmem>>)
      tpu.yield
    }) : () -> ()
    %mul3A_41 = arith.constant 640 : i32
    %mul3A_42 = arith.muli %arg1, %mul3A_41 : i32
    %add3A_43 = arith.constant 51200 : i32
    %add3A_44 = arith.addi %add3A_43, %mul3A_42 : i32
    "tpu.region"() ({
      %run_scoped3A = tpu.sem_alloc : memref<!tpu.dma_semaphore, #tpu.memory_space<semaphore_mem>>
      %dma_start3A = arith.constant 3200 : i32
      %dma_start3A_97 = tpu.memref_slice %arg6[%dma_start3A] : memref<10240xf32, #tpu.memory_space<vmem>> -> memref<640xf32, #tpu.memory_space<vmem>>
      %dma_start3A_98 = tpu.memref_slice %arg8[%add3A_44] : memref<163840xf32, #tpu.memory_space<vmem_shared>> -> memref<640xf32, #tpu.memory_space<vmem_shared>>
      %dma_start3A_99 = arith.constant 3200 : i32
      %dma_start3A_100 = tpu.memref_slice %arg6[%dma_start3A_99] : memref<10240xf32, #tpu.memory_space<vmem>> -> memref<640xf32, #tpu.memory_space<vmem>>
      %dma_start3A_101 = tpu.memref_slice %arg8[%add3A_44] : memref<163840xf32, #tpu.memory_space<vmem_shared>> -> memref<640xf32, #tpu.memory_space<vmem_shared>>
      tpu.enqueue_dma source(%dma_start3A_101 : memref<640xf32, #tpu.memory_space<vmem_shared>>) target(%dma_start3A_100 : memref<640xf32, #tpu.memory_space<vmem>>) target_semaphore(%run_scoped3A : memref<!tpu.dma_semaphore, #tpu.memory_space<semaphore_mem>>)
      %dma_wait3A = arith.constant 3200 : i32
      %dma_wait3A_102 = tpu.memref_slice %arg6[%dma_wait3A] : memref<10240xf32, #tpu.memory_space<vmem>> -> memref<640xf32, #tpu.memory_space<vmem>>
      %dma_wait3A_103 = tpu.memref_slice %arg8[%add3A_44] : memref<163840xf32, #tpu.memory_space<vmem_shared>> -> memref<640xf32, #tpu.memory_space<vmem_shared>>
      %dma_wait3A_104 = arith.constant 3200 : i32
      %dma_wait3A_105 = tpu.memref_slice %arg6[%dma_wait3A_104] : memref<10240xf32, #tpu.memory_space<vmem>> -> memref<640xf32, #tpu.memory_space<vmem>>
      %dma_wait3A_106 = tpu.memref_slice %arg8[%add3A_44] : memref<163840xf32, #tpu.memory_space<vmem_shared>> -> memref<640xf32, #tpu.memory_space<vmem_shared>>
      tpu.wait_dma2 semaphore(%run_scoped3A : memref<!tpu.dma_semaphore, #tpu.memory_space<semaphore_mem>>) src(%dma_wait3A_106 : memref<640xf32, #tpu.memory_space<vmem_shared>>) dst(%dma_wait3A_105 : memref<640xf32, #tpu.memory_space<vmem>>)
      tpu.yield
    }) : () -> ()
    %mul3A_45 = arith.constant 640 : i32
    %mul3A_46 = arith.muli %arg1, %mul3A_45 : i32
    %add3A_47 = arith.constant 61440 : i32
    %add3A_48 = arith.addi %add3A_47, %mul3A_46 : i32
    "tpu.region"() ({
      %run_scoped3A = tpu.sem_alloc : memref<!tpu.dma_semaphore, #tpu.memory_space<semaphore_mem>>
      %dma_start3A = arith.constant 3840 : i32
      %dma_start3A_97 = tpu.memref_slice %arg6[%dma_start3A] : memref<10240xf32, #tpu.memory_space<vmem>> -> memref<640xf32, #tpu.memory_space<vmem>>
      %dma_start3A_98 = tpu.memref_slice %arg8[%add3A_48] : memref<163840xf32, #tpu.memory_space<vmem_shared>> -> memref<640xf32, #tpu.memory_space<vmem_shared>>
      %dma_start3A_99 = arith.constant 3840 : i32
      %dma_start3A_100 = tpu.memref_slice %arg6[%dma_start3A_99] : memref<10240xf32, #tpu.memory_space<vmem>> -> memref<640xf32, #tpu.memory_space<vmem>>
      %dma_start3A_101 = tpu.memref_slice %arg8[%add3A_48] : memref<163840xf32, #tpu.memory_space<vmem_shared>> -> memref<640xf32, #tpu.memory_space<vmem_shared>>
      tpu.enqueue_dma source(%dma_start3A_101 : memref<640xf32, #tpu.memory_space<vmem_shared>>) target(%dma_start3A_100 : memref<640xf32, #tpu.memory_space<vmem>>) target_semaphore(%run_scoped3A : memref<!tpu.dma_semaphore, #tpu.memory_space<semaphore_mem>>)
      %dma_wait3A = arith.constant 3840 : i32
      %dma_wait3A_102 = tpu.memref_slice %arg6[%dma_wait3A] : memref<10240xf32, #tpu.memory_space<vmem>> -> memref<640xf32, #tpu.memory_space<vmem>>
      %dma_wait3A_103 = tpu.memref_slice %arg8[%add3A_48] : memref<163840xf32, #tpu.memory_space<vmem_shared>> -> memref<640xf32, #tpu.memory_space<vmem_shared>>
      %dma_wait3A_104 = arith.constant 3840 : i32
      %dma_wait3A_105 = tpu.memref_slice %arg6[%dma_wait3A_104] : memref<10240xf32, #tpu.memory_space<vmem>> -> memref<640xf32, #tpu.memory_space<vmem>>
      %dma_wait3A_106 = tpu.memref_slice %arg8[%add3A_48] : memref<163840xf32, #tpu.memory_space<vmem_shared>> -> memref<640xf32, #tpu.memory_space<vmem_shared>>
      tpu.wait_dma2 semaphore(%run_scoped3A : memref<!tpu.dma_semaphore, #tpu.memory_space<semaphore_mem>>) src(%dma_wait3A_106 : memref<640xf32, #tpu.memory_space<vmem_shared>>) dst(%dma_wait3A_105 : memref<640xf32, #tpu.memory_space<vmem>>)
      tpu.yield
    }) : () -> ()
    %mul3A_49 = arith.constant 640 : i32
    %mul3A_50 = arith.muli %arg1, %mul3A_49 : i32
    %add3A_51 = arith.constant 71680 : i32
    %add3A_52 = arith.addi %add3A_51, %mul3A_50 : i32
    "tpu.region"() ({
      %run_scoped3A = tpu.sem_alloc : memref<!tpu.dma_semaphore, #tpu.memory_space<semaphore_mem>>
      %dma_start3A = arith.constant 4480 : i32
      %dma_start3A_97 = tpu.memref_slice %arg6[%dma_start3A] : memref<10240xf32, #tpu.memory_space<vmem>> -> memref<640xf32, #tpu.memory_space<vmem>>
      %dma_start3A_98 = tpu.memref_slice %arg8[%add3A_52] : memref<163840xf32, #tpu.memory_space<vmem_shared>> -> memref<640xf32, #tpu.memory_space<vmem_shared>>
      %dma_start3A_99 = arith.constant 4480 : i32
      %dma_start3A_100 = tpu.memref_slice %arg6[%dma_start3A_99] : memref<10240xf32, #tpu.memory_space<vmem>> -> memref<640xf32, #tpu.memory_space<vmem>>
      %dma_start3A_101 = tpu.memref_slice %arg8[%add3A_52] : memref<163840xf32, #tpu.memory_space<vmem_shared>> -> memref<640xf32, #tpu.memory_space<vmem_shared>>
      tpu.enqueue_dma source(%dma_start3A_101 : memref<640xf32, #tpu.memory_space<vmem_shared>>) target(%dma_start3A_100 : memref<640xf32, #tpu.memory_space<vmem>>) target_semaphore(%run_scoped3A : memref<!tpu.dma_semaphore, #tpu.memory_space<semaphore_mem>>)
      %dma_wait3A = arith.constant 4480 : i32
      %dma_wait3A_102 = tpu.memref_slice %arg6[%dma_wait3A] : memref<10240xf32, #tpu.memory_space<vmem>> -> memref<640xf32, #tpu.memory_space<vmem>>
      %dma_wait3A_103 = tpu.memref_slice %arg8[%add3A_52] : memref<163840xf32, #tpu.memory_space<vmem_shared>> -> memref<640xf32, #tpu.memory_space<vmem_shared>>
      %dma_wait3A_104 = arith.constant 4480 : i32
      %dma_wait3A_105 = tpu.memref_slice %arg6[%dma_wait3A_104] : memref<10240xf32, #tpu.memory_space<vmem>> -> memref<640xf32, #tpu.memory_space<vmem>>
      %dma_wait3A_106 = tpu.memref_slice %arg8[%add3A_52] : memref<163840xf32, #tpu.memory_space<vmem_shared>> -> memref<640xf32, #tpu.memory_space<vmem_shared>>
      tpu.wait_dma2 semaphore(%run_scoped3A : memref<!tpu.dma_semaphore, #tpu.memory_space<semaphore_mem>>) src(%dma_wait3A_106 : memref<640xf32, #tpu.memory_space<vmem_shared>>) dst(%dma_wait3A_105 : memref<640xf32, #tpu.memory_space<vmem>>)
      tpu.yield
    }) : () -> ()
    %mul3A_53 = arith.constant 640 : i32
    %mul3A_54 = arith.muli %arg1, %mul3A_53 : i32
    %add3A_55 = arith.constant 81920 : i32
    %add3A_56 = arith.addi %add3A_55, %mul3A_54 : i32
    "tpu.region"() ({
      %run_scoped3A = tpu.sem_alloc : memref<!tpu.dma_semaphore, #tpu.memory_space<semaphore_mem>>
      %dma_start3A = arith.constant 5120 : i32
      %dma_start3A_97 = tpu.memref_slice %arg6[%dma_start3A] : memref<10240xf32, #tpu.memory_space<vmem>> -> memref<640xf32, #tpu.memory_space<vmem>>
      %dma_start3A_98 = tpu.memref_slice %arg8[%add3A_56] : memref<163840xf32, #tpu.memory_space<vmem_shared>> -> memref<640xf32, #tpu.memory_space<vmem_shared>>
      %dma_start3A_99 = arith.constant 5120 : i32
      %dma_start3A_100 = tpu.memref_slice %arg6[%dma_start3A_99] : memref<10240xf32, #tpu.memory_space<vmem>> -> memref<640xf32, #tpu.memory_space<vmem>>
      %dma_start3A_101 = tpu.memref_slice %arg8[%add3A_56] : memref<163840xf32, #tpu.memory_space<vmem_shared>> -> memref<640xf32, #tpu.memory_space<vmem_shared>>
      tpu.enqueue_dma source(%dma_start3A_101 : memref<640xf32, #tpu.memory_space<vmem_shared>>) target(%dma_start3A_100 : memref<640xf32, #tpu.memory_space<vmem>>) target_semaphore(%run_scoped3A : memref<!tpu.dma_semaphore, #tpu.memory_space<semaphore_mem>>)
      %dma_wait3A = arith.constant 5120 : i32
      %dma_wait3A_102 = tpu.memref_slice %arg6[%dma_wait3A] : memref<10240xf32, #tpu.memory_space<vmem>> -> memref<640xf32, #tpu.memory_space<vmem>>
      %dma_wait3A_103 = tpu.memref_slice %arg8[%add3A_56] : memref<163840xf32, #tpu.memory_space<vmem_shared>> -> memref<640xf32, #tpu.memory_space<vmem_shared>>
      %dma_wait3A_104 = arith.constant 5120 : i32
      %dma_wait3A_105 = tpu.memref_slice %arg6[%dma_wait3A_104] : memref<10240xf32, #tpu.memory_space<vmem>> -> memref<640xf32, #tpu.memory_space<vmem>>
      %dma_wait3A_106 = tpu.memref_slice %arg8[%add3A_56] : memref<163840xf32, #tpu.memory_space<vmem_shared>> -> memref<640xf32, #tpu.memory_space<vmem_shared>>
      tpu.wait_dma2 semaphore(%run_scoped3A : memref<!tpu.dma_semaphore, #tpu.memory_space<semaphore_mem>>) src(%dma_wait3A_106 : memref<640xf32, #tpu.memory_space<vmem_shared>>) dst(%dma_wait3A_105 : memref<640xf32, #tpu.memory_space<vmem>>)
      tpu.yield
    }) : () -> ()
    %mul3A_57 = arith.constant 640 : i32
    %mul3A_58 = arith.muli %arg1, %mul3A_57 : i32
    %add3A_59 = arith.constant 92160 : i32
    %add3A_60 = arith.addi %add3A_59, %mul3A_58 : i32
    "tpu.region"() ({
      %run_scoped3A = tpu.sem_alloc : memref<!tpu.dma_semaphore, #tpu.memory_space<semaphore_mem>>
      %dma_start3A = arith.constant 5760 : i32
      %dma_start3A_97 = tpu.memref_slice %arg6[%dma_start3A] : memref<10240xf32, #tpu.memory_space<vmem>> -> memref<640xf32, #tpu.memory_space<vmem>>
      %dma_start3A_98 = tpu.memref_slice %arg8[%add3A_60] : memref<163840xf32, #tpu.memory_space<vmem_shared>> -> memref<640xf32, #tpu.memory_space<vmem_shared>>
      %dma_start3A_99 = arith.constant 5760 : i32
      %dma_start3A_100 = tpu.memref_slice %arg6[%dma_start3A_99] : memref<10240xf32, #tpu.memory_space<vmem>> -> memref<640xf32, #tpu.memory_space<vmem>>
      %dma_start3A_101 = tpu.memref_slice %arg8[%add3A_60] : memref<163840xf32, #tpu.memory_space<vmem_shared>> -> memref<640xf32, #tpu.memory_space<vmem_shared>>
      tpu.enqueue_dma source(%dma_start3A_101 : memref<640xf32, #tpu.memory_space<vmem_shared>>) target(%dma_start3A_100 : memref<640xf32, #tpu.memory_space<vmem>>) target_semaphore(%run_scoped3A : memref<!tpu.dma_semaphore, #tpu.memory_space<semaphore_mem>>)
      %dma_wait3A = arith.constant 5760 : i32
      %dma_wait3A_102 = tpu.memref_slice %arg6[%dma_wait3A] : memref<10240xf32, #tpu.memory_space<vmem>> -> memref<640xf32, #tpu.memory_space<vmem>>
      %dma_wait3A_103 = tpu.memref_slice %arg8[%add3A_60] : memref<163840xf32, #tpu.memory_space<vmem_shared>> -> memref<640xf32, #tpu.memory_space<vmem_shared>>
      %dma_wait3A_104 = arith.constant 5760 : i32
      %dma_wait3A_105 = tpu.memref_slice %arg6[%dma_wait3A_104] : memref<10240xf32, #tpu.memory_space<vmem>> -> memref<640xf32, #tpu.memory_space<vmem>>
      %dma_wait3A_106 = tpu.memref_slice %arg8[%add3A_60] : memref<163840xf32, #tpu.memory_space<vmem_shared>> -> memref<640xf32, #tpu.memory_space<vmem_shared>>
      tpu.wait_dma2 semaphore(%run_scoped3A : memref<!tpu.dma_semaphore, #tpu.memory_space<semaphore_mem>>) src(%dma_wait3A_106 : memref<640xf32, #tpu.memory_space<vmem_shared>>) dst(%dma_wait3A_105 : memref<640xf32, #tpu.memory_space<vmem>>)
      tpu.yield
    }) : () -> ()
    %mul3A_61 = arith.constant 640 : i32
    %mul3A_62 = arith.muli %arg1, %mul3A_61 : i32
    %add3A_63 = arith.constant 102400 : i32
    %add3A_64 = arith.addi %add3A_63, %mul3A_62 : i32
    "tpu.region"() ({
      %run_scoped3A = tpu.sem_alloc : memref<!tpu.dma_semaphore, #tpu.memory_space<semaphore_mem>>
      %dma_start3A = arith.constant 6400 : i32
      %dma_start3A_97 = tpu.memref_slice %arg6[%dma_start3A] : memref<10240xf32, #tpu.memory_space<vmem>> -> memref<640xf32, #tpu.memory_space<vmem>>
      %dma_start3A_98 = tpu.memref_slice %arg8[%add3A_64] : memref<163840xf32, #tpu.memory_space<vmem_shared>> -> memref<640xf32, #tpu.memory_space<vmem_shared>>
      %dma_start3A_99 = arith.constant 6400 : i32
      %dma_start3A_100 = tpu.memref_slice %arg6[%dma_start3A_99] : memref<10240xf32, #tpu.memory_space<vmem>> -> memref<640xf32, #tpu.memory_space<vmem>>
      %dma_start3A_101 = tpu.memref_slice %arg8[%add3A_64] : memref<163840xf32, #tpu.memory_space<vmem_shared>> -> memref<640xf32, #tpu.memory_space<vmem_shared>>
      tpu.enqueue_dma source(%dma_start3A_101 : memref<640xf32, #tpu.memory_space<vmem_shared>>) target(%dma_start3A_100 : memref<640xf32, #tpu.memory_space<vmem>>) target_semaphore(%run_scoped3A : memref<!tpu.dma_semaphore, #tpu.memory_space<semaphore_mem>>)
      %dma_wait3A = arith.constant 6400 : i32
      %dma_wait3A_102 = tpu.memref_slice %arg6[%dma_wait3A] : memref<10240xf32, #tpu.memory_space<vmem>> -> memref<640xf32, #tpu.memory_space<vmem>>
      %dma_wait3A_103 = tpu.memref_slice %arg8[%add3A_64] : memref<163840xf32, #tpu.memory_space<vmem_shared>> -> memref<640xf32, #tpu.memory_space<vmem_shared>>
      %dma_wait3A_104 = arith.constant 6400 : i32
      %dma_wait3A_105 = tpu.memref_slice %arg6[%dma_wait3A_104] : memref<10240xf32, #tpu.memory_space<vmem>> -> memref<640xf32, #tpu.memory_space<vmem>>
      %dma_wait3A_106 = tpu.memref_slice %arg8[%add3A_64] : memref<163840xf32, #tpu.memory_space<vmem_shared>> -> memref<640xf32, #tpu.memory_space<vmem_shared>>
      tpu.wait_dma2 semaphore(%run_scoped3A : memref<!tpu.dma_semaphore, #tpu.memory_space<semaphore_mem>>) src(%dma_wait3A_106 : memref<640xf32, #tpu.memory_space<vmem_shared>>) dst(%dma_wait3A_105 : memref<640xf32, #tpu.memory_space<vmem>>)
      tpu.yield
    }) : () -> ()
    %mul3A_65 = arith.constant 640 : i32
    %mul3A_66 = arith.muli %arg1, %mul3A_65 : i32
    %add3A_67 = arith.constant 112640 : i32
    %add3A_68 = arith.addi %add3A_67, %mul3A_66 : i32
    "tpu.region"() ({
      %run_scoped3A = tpu.sem_alloc : memref<!tpu.dma_semaphore, #tpu.memory_space<semaphore_mem>>
      %dma_start3A = arith.constant 7040 : i32
      %dma_start3A_97 = tpu.memref_slice %arg6[%dma_start3A] : memref<10240xf32, #tpu.memory_space<vmem>> -> memref<640xf32, #tpu.memory_space<vmem>>
      %dma_start3A_98 = tpu.memref_slice %arg8[%add3A_68] : memref<163840xf32, #tpu.memory_space<vmem_shared>> -> memref<640xf32, #tpu.memory_space<vmem_shared>>
      %dma_start3A_99 = arith.constant 7040 : i32
      %dma_start3A_100 = tpu.memref_slice %arg6[%dma_start3A_99] : memref<10240xf32, #tpu.memory_space<vmem>> -> memref<640xf32, #tpu.memory_space<vmem>>
      %dma_start3A_101 = tpu.memref_slice %arg8[%add3A_68] : memref<163840xf32, #tpu.memory_space<vmem_shared>> -> memref<640xf32, #tpu.memory_space<vmem_shared>>
      tpu.enqueue_dma source(%dma_start3A_101 : memref<640xf32, #tpu.memory_space<vmem_shared>>) target(%dma_start3A_100 : memref<640xf32, #tpu.memory_space<vmem>>) target_semaphore(%run_scoped3A : memref<!tpu.dma_semaphore, #tpu.memory_space<semaphore_mem>>)
      %dma_wait3A = arith.constant 7040 : i32
      %dma_wait3A_102 = tpu.memref_slice %arg6[%dma_wait3A] : memref<10240xf32, #tpu.memory_space<vmem>> -> memref<640xf32, #tpu.memory_space<vmem>>
      %dma_wait3A_103 = tpu.memref_slice %arg8[%add3A_68] : memref<163840xf32, #tpu.memory_space<vmem_shared>> -> memref<640xf32, #tpu.memory_space<vmem_shared>>
      %dma_wait3A_104 = arith.constant 7040 : i32
      %dma_wait3A_105 = tpu.memref_slice %arg6[%dma_wait3A_104] : memref<10240xf32, #tpu.memory_space<vmem>> -> memref<640xf32, #tpu.memory_space<vmem>>
      %dma_wait3A_106 = tpu.memref_slice %arg8[%add3A_68] : memref<163840xf32, #tpu.memory_space<vmem_shared>> -> memref<640xf32, #tpu.memory_space<vmem_shared>>
      tpu.wait_dma2 semaphore(%run_scoped3A : memref<!tpu.dma_semaphore, #tpu.memory_space<semaphore_mem>>) src(%dma_wait3A_106 : memref<640xf32, #tpu.memory_space<vmem_shared>>) dst(%dma_wait3A_105 : memref<640xf32, #tpu.memory_space<vmem>>)
      tpu.yield
    }) : () -> ()
    %mul3A_69 = arith.constant 640 : i32
    %mul3A_70 = arith.muli %arg1, %mul3A_69 : i32
    %add3A_71 = arith.constant 122880 : i32
    %add3A_72 = arith.addi %add3A_71, %mul3A_70 : i32
    "tpu.region"() ({
      %run_scoped3A = tpu.sem_alloc : memref<!tpu.dma_semaphore, #tpu.memory_space<semaphore_mem>>
      %dma_start3A = arith.constant 7680 : i32
      %dma_start3A_97 = tpu.memref_slice %arg6[%dma_start3A] : memref<10240xf32, #tpu.memory_space<vmem>> -> memref<640xf32, #tpu.memory_space<vmem>>
      %dma_start3A_98 = tpu.memref_slice %arg8[%add3A_72] : memref<163840xf32, #tpu.memory_space<vmem_shared>> -> memref<640xf32, #tpu.memory_space<vmem_shared>>
      %dma_start3A_99 = arith.constant 7680 : i32
      %dma_start3A_100 = tpu.memref_slice %arg6[%dma_start3A_99] : memref<10240xf32, #tpu.memory_space<vmem>> -> memref<640xf32, #tpu.memory_space<vmem>>
      %dma_start3A_101 = tpu.memref_slice %arg8[%add3A_72] : memref<163840xf32, #tpu.memory_space<vmem_shared>> -> memref<640xf32, #tpu.memory_space<vmem_shared>>
      tpu.enqueue_dma source(%dma_start3A_101 : memref<640xf32, #tpu.memory_space<vmem_shared>>) target(%dma_start3A_100 : memref<640xf32, #tpu.memory_space<vmem>>) target_semaphore(%run_scoped3A : memref<!tpu.dma_semaphore, #tpu.memory_space<semaphore_mem>>)
      %dma_wait3A = arith.constant 7680 : i32
      %dma_wait3A_102 = tpu.memref_slice %arg6[%dma_wait3A] : memref<10240xf32, #tpu.memory_space<vmem>> -> memref<640xf32, #tpu.memory_space<vmem>>
      %dma_wait3A_103 = tpu.memref_slice %arg8[%add3A_72] : memref<163840xf32, #tpu.memory_space<vmem_shared>> -> memref<640xf32, #tpu.memory_space<vmem_shared>>
      %dma_wait3A_104 = arith.constant 7680 : i32
      %dma_wait3A_105 = tpu.memref_slice %arg6[%dma_wait3A_104] : memref<10240xf32, #tpu.memory_space<vmem>> -> memref<640xf32, #tpu.memory_space<vmem>>
      %dma_wait3A_106 = tpu.memref_slice %arg8[%add3A_72] : memref<163840xf32, #tpu.memory_space<vmem_shared>> -> memref<640xf32, #tpu.memory_space<vmem_shared>>
      tpu.wait_dma2 semaphore(%run_scoped3A : memref<!tpu.dma_semaphore, #tpu.memory_space<semaphore_mem>>) src(%dma_wait3A_106 : memref<640xf32, #tpu.memory_space<vmem_shared>>) dst(%dma_wait3A_105 : memref<640xf32, #tpu.memory_space<vmem>>)
      tpu.yield
    }) : () -> ()
    %mul3A_73 = arith.constant 640 : i32
    %mul3A_74 = arith.muli %arg1, %mul3A_73 : i32
    %add3A_75 = arith.constant 133120 : i32
    %add3A_76 = arith.addi %add3A_75, %mul3A_74 : i32
    "tpu.region"() ({
      %run_scoped3A = tpu.sem_alloc : memref<!tpu.dma_semaphore, #tpu.memory_space<semaphore_mem>>
      %dma_start3A = arith.constant 8320 : i32
      %dma_start3A_97 = tpu.memref_slice %arg6[%dma_start3A] : memref<10240xf32, #tpu.memory_space<vmem>> -> memref<640xf32, #tpu.memory_space<vmem>>
      %dma_start3A_98 = tpu.memref_slice %arg8[%add3A_76] : memref<163840xf32, #tpu.memory_space<vmem_shared>> -> memref<640xf32, #tpu.memory_space<vmem_shared>>
      %dma_start3A_99 = arith.constant 8320 : i32
      %dma_start3A_100 = tpu.memref_slice %arg6[%dma_start3A_99] : memref<10240xf32, #tpu.memory_space<vmem>> -> memref<640xf32, #tpu.memory_space<vmem>>
      %dma_start3A_101 = tpu.memref_slice %arg8[%add3A_76] : memref<163840xf32, #tpu.memory_space<vmem_shared>> -> memref<640xf32, #tpu.memory_space<vmem_shared>>
      tpu.enqueue_dma source(%dma_start3A_101 : memref<640xf32, #tpu.memory_space<vmem_shared>>) target(%dma_start3A_100 : memref<640xf32, #tpu.memory_space<vmem>>) target_semaphore(%run_scoped3A : memref<!tpu.dma_semaphore, #tpu.memory_space<semaphore_mem>>)
      %dma_wait3A = arith.constant 8320 : i32
      %dma_wait3A_102 = tpu.memref_slice %arg6[%dma_wait3A] : memref<10240xf32, #tpu.memory_space<vmem>> -> memref<640xf32, #tpu.memory_space<vmem>>
      %dma_wait3A_103 = tpu.memref_slice %arg8[%add3A_76] : memref<163840xf32, #tpu.memory_space<vmem_shared>> -> memref<640xf32, #tpu.memory_space<vmem_shared>>
      %dma_wait3A_104 = arith.constant 8320 : i32
      %dma_wait3A_105 = tpu.memref_slice %arg6[%dma_wait3A_104] : memref<10240xf32, #tpu.memory_space<vmem>> -> memref<640xf32, #tpu.memory_space<vmem>>
      %dma_wait3A_106 = tpu.memref_slice %arg8[%add3A_76] : memref<163840xf32, #tpu.memory_space<vmem_shared>> -> memref<640xf32, #tpu.memory_space<vmem_shared>>
      tpu.wait_dma2 semaphore(%run_scoped3A : memref<!tpu.dma_semaphore, #tpu.memory_space<semaphore_mem>>) src(%dma_wait3A_106 : memref<640xf32, #tpu.memory_space<vmem_shared>>) dst(%dma_wait3A_105 : memref<640xf32, #tpu.memory_space<vmem>>)
      tpu.yield
    }) : () -> ()
    %mul3A_77 = arith.constant 640 : i32
    %mul3A_78 = arith.muli %arg1, %mul3A_77 : i32
    %add3A_79 = arith.constant 143360 : i32
    %add3A_80 = arith.addi %add3A_79, %mul3A_78 : i32
    "tpu.region"() ({
      %run_scoped3A = tpu.sem_alloc : memref<!tpu.dma_semaphore, #tpu.memory_space<semaphore_mem>>
      %dma_start3A = arith.constant 8960 : i32
      %dma_start3A_97 = tpu.memref_slice %arg6[%dma_start3A] : memref<10240xf32, #tpu.memory_space<vmem>> -> memref<640xf32, #tpu.memory_space<vmem>>
      %dma_start3A_98 = tpu.memref_slice %arg8[%add3A_80] : memref<163840xf32, #tpu.memory_space<vmem_shared>> -> memref<640xf32, #tpu.memory_space<vmem_shared>>
      %dma_start3A_99 = arith.constant 8960 : i32
      %dma_start3A_100 = tpu.memref_slice %arg6[%dma_start3A_99] : memref<10240xf32, #tpu.memory_space<vmem>> -> memref<640xf32, #tpu.memory_space<vmem>>
      %dma_start3A_101 = tpu.memref_slice %arg8[%add3A_80] : memref<163840xf32, #tpu.memory_space<vmem_shared>> -> memref<640xf32, #tpu.memory_space<vmem_shared>>
      tpu.enqueue_dma source(%dma_start3A_101 : memref<640xf32, #tpu.memory_space<vmem_shared>>) target(%dma_start3A_100 : memref<640xf32, #tpu.memory_space<vmem>>) target_semaphore(%run_scoped3A : memref<!tpu.dma_semaphore, #tpu.memory_space<semaphore_mem>>)
      %dma_wait3A = arith.constant 8960 : i32
      %dma_wait3A_102 = tpu.memref_slice %arg6[%dma_wait3A] : memref<10240xf32, #tpu.memory_space<vmem>> -> memref<640xf32, #tpu.memory_space<vmem>>
      %dma_wait3A_103 = tpu.memref_slice %arg8[%add3A_80] : memref<163840xf32, #tpu.memory_space<vmem_shared>> -> memref<640xf32, #tpu.memory_space<vmem_shared>>
      %dma_wait3A_104 = arith.constant 8960 : i32
      %dma_wait3A_105 = tpu.memref_slice %arg6[%dma_wait3A_104] : memref<10240xf32, #tpu.memory_space<vmem>> -> memref<640xf32, #tpu.memory_space<vmem>>
      %dma_wait3A_106 = tpu.memref_slice %arg8[%add3A_80] : memref<163840xf32, #tpu.memory_space<vmem_shared>> -> memref<640xf32, #tpu.memory_space<vmem_shared>>
      tpu.wait_dma2 semaphore(%run_scoped3A : memref<!tpu.dma_semaphore, #tpu.memory_space<semaphore_mem>>) src(%dma_wait3A_106 : memref<640xf32, #tpu.memory_space<vmem_shared>>) dst(%dma_wait3A_105 : memref<640xf32, #tpu.memory_space<vmem>>)
      tpu.yield
    }) : () -> ()
    %mul3A_81 = arith.constant 640 : i32
    %mul3A_82 = arith.muli %arg1, %mul3A_81 : i32
    %add3A_83 = arith.constant 153600 : i32
    %add3A_84 = arith.addi %add3A_83, %mul3A_82 : i32
    "tpu.region"() ({
      %run_scoped3A = tpu.sem_alloc : memref<!tpu.dma_semaphore, #tpu.memory_space<semaphore_mem>>
      %dma_start3A = arith.constant 9600 : i32
      %dma_start3A_97 = tpu.memref_slice %arg6[%dma_start3A] : memref<10240xf32, #tpu.memory_space<vmem>> -> memref<640xf32, #tpu.memory_space<vmem>>
      %dma_start3A_98 = tpu.memref_slice %arg8[%add3A_84] : memref<163840xf32, #tpu.memory_space<vmem_shared>> -> memref<640xf32, #tpu.memory_space<vmem_shared>>
      %dma_start3A_99 = arith.constant 9600 : i32
      %dma_start3A_100 = tpu.memref_slice %arg6[%dma_start3A_99] : memref<10240xf32, #tpu.memory_space<vmem>> -> memref<640xf32, #tpu.memory_space<vmem>>
      %dma_start3A_101 = tpu.memref_slice %arg8[%add3A_84] : memref<163840xf32, #tpu.memory_space<vmem_shared>> -> memref<640xf32, #tpu.memory_space<vmem_shared>>
      tpu.enqueue_dma source(%dma_start3A_101 : memref<640xf32, #tpu.memory_space<vmem_shared>>) target(%dma_start3A_100 : memref<640xf32, #tpu.memory_space<vmem>>) target_semaphore(%run_scoped3A : memref<!tpu.dma_semaphore, #tpu.memory_space<semaphore_mem>>)
      %dma_wait3A = arith.constant 9600 : i32
      %dma_wait3A_102 = tpu.memref_slice %arg6[%dma_wait3A] : memref<10240xf32, #tpu.memory_space<vmem>> -> memref<640xf32, #tpu.memory_space<vmem>>
      %dma_wait3A_103 = tpu.memref_slice %arg8[%add3A_84] : memref<163840xf32, #tpu.memory_space<vmem_shared>> -> memref<640xf32, #tpu.memory_space<vmem_shared>>
      %dma_wait3A_104 = arith.constant 9600 : i32
      %dma_wait3A_105 = tpu.memref_slice %arg6[%dma_wait3A_104] : memref<10240xf32, #tpu.memory_space<vmem>> -> memref<640xf32, #tpu.memory_space<vmem>>
      %dma_wait3A_106 = tpu.memref_slice %arg8[%add3A_84] : memref<163840xf32, #tpu.memory_space<vmem_shared>> -> memref<640xf32, #tpu.memory_space<vmem_shared>>
      tpu.wait_dma2 semaphore(%run_scoped3A : memref<!tpu.dma_semaphore, #tpu.memory_space<semaphore_mem>>) src(%dma_wait3A_106 : memref<640xf32, #tpu.memory_space<vmem_shared>>) dst(%dma_wait3A_105 : memref<640xf32, #tpu.memory_space<vmem>>)
      tpu.yield
    }) : () -> ()
    %scan3A_85 = arith.constant 0 : i32
    %scan3A_86 = arith.constant 0 : i32
    %scan3A_87 = arith.constant 40 : i32
    %scan3A_88 = arith.addi %scan3A_86, %scan3A_87 : i32
    %scan3A_89 = arith.constant 1 : i32
    %scan3A_90 = scf.for %scan3A_97 = %scan3A_86 to %scan3A_88 step %scan3A_89 iter_args(%scan3A_98 = %scan3A_85) -> (i32)  : i32 {
      %mul3A_99 = arith.constant 16 : i32
      %mul3A_100 = arith.muli %scan3A_97, %mul3A_99 : i32
      %add3A_101 = arith.constant 0 : i32
      %add3A_102 = arith.addi %add3A_101, %mul3A_100 : i32
      %get3A = arith.index_cast %add3A_102 : i32 to index
      %get3A_103 = tpu.vector_load %arg6[%get3A] {strides = array<i32>} : memref<10240xf32, #tpu.memory_space<vmem>>, vector<16xf32>,
      %add3A_104 = arith.addf %broadcast_in_dim3A_3, %get3A_103 : vector<16xf32>
      %mul3A_105 = arith.constant 16 : i32
      %mul3A_106 = arith.muli %scan3A_97, %mul3A_105 : i32
      %add3A_107 = arith.constant 640 : i32
      %add3A_108 = arith.addi %add3A_107, %mul3A_106 : i32
      %get3A_109 = arith.index_cast %add3A_108 : i32 to index
      %get3A_110 = tpu.vector_load %arg6[%get3A_109] {strides = array<i32>} : memref<10240xf32, #tpu.memory_space<vmem>>, vector<16xf32>,
      %add3A_111 = arith.addf %add3A_104, %get3A_110 : vector<16xf32>
      %mul3A_112 = arith.constant 16 : i32
      %mul3A_113 = arith.muli %scan3A_97, %mul3A_112 : i32
      %add3A_114 = arith.constant 1280 : i32
      %add3A_115 = arith.addi %add3A_114, %mul3A_113 : i32
      %get3A_116 = arith.index_cast %add3A_115 : i32 to index
      %get3A_117 = tpu.vector_load %arg6[%get3A_116] {strides = array<i32>} : memref<10240xf32, #tpu.memory_space<vmem>>, vector<16xf32>,
      %add3A_118 = arith.addf %add3A_111, %get3A_117 : vector<16xf32>
      %mul3A_119 = arith.constant 16 : i32
      %mul3A_120 = arith.muli %scan3A_97, %mul3A_119 : i32
      %add3A_121 = arith.constant 1920 : i32
      %add3A_122 = arith.addi %add3A_121, %mul3A_120 : i32
      %get3A_123 = arith.index_cast %add3A_122 : i32 to index
      %get3A_124 = tpu.vector_load %arg6[%get3A_123] {strides = array<i32>} : memref<10240xf32, #tpu.memory_space<vmem>>, vector<16xf32>,
      %add3A_125 = arith.addf %add3A_118, %get3A_124 : vector<16xf32>
      %mul3A_126 = arith.constant 16 : i32
      %mul3A_127 = arith.muli %scan3A_97, %mul3A_126 : i32
      %add3A_128 = arith.constant 2560 : i32
      %add3A_129 = arith.addi %add3A_128, %mul3A_127 : i32
      %get3A_130 = arith.index_cast %add3A_129 : i32 to index
      %get3A_131 = tpu.vector_load %arg6[%get3A_130] {strides = array<i32>} : memref<10240xf32, #tpu.memory_space<vmem>>, vector<16xf32>,
      %add3A_132 = arith.addf %add3A_125, %get3A_131 : vector<16xf32>
      %mul3A_133 = arith.constant 16 : i32
      %mul3A_134 = arith.muli %scan3A_97, %mul3A_133 : i32
      %add3A_135 = arith.constant 3200 : i32
      %add3A_136 = arith.addi %add3A_135, %mul3A_134 : i32
      %get3A_137 = arith.index_cast %add3A_136 : i32 to index
      %get3A_138 = tpu.vector_load %arg6[%get3A_137] {strides = array<i32>} : memref<10240xf32, #tpu.memory_space<vmem>>, vector<16xf32>,
      %add3A_139 = arith.addf %add3A_132, %get3A_138 : vector<16xf32>
      %mul3A_140 = arith.constant 16 : i32
      %mul3A_141 = arith.muli %scan3A_97, %mul3A_140 : i32
      %add3A_142 = arith.constant 3840 : i32
      %add3A_143 = arith.addi %add3A_142, %mul3A_141 : i32
      %get3A_144 = arith.index_cast %add3A_143 : i32 to index
      %get3A_145 = tpu.vector_load %arg6[%get3A_144] {strides = array<i32>} : memref<10240xf32, #tpu.memory_space<vmem>>, vector<16xf32>,
      %add3A_146 = arith.addf %add3A_139, %get3A_145 : vector<16xf32>
      %mul3A_147 = arith.constant 16 : i32
      %mul3A_148 = arith.muli %scan3A_97, %mul3A_147 : i32
      %add3A_149 = arith.constant 4480 : i32
      %add3A_150 = arith.addi %add3A_149, %mul3A_148 : i32
      %get3A_151 = arith.index_cast %add3A_150 : i32 to index
      %get3A_152 = tpu.vector_load %arg6[%get3A_151] {strides = array<i32>} : memref<10240xf32, #tpu.memory_space<vmem>>, vector<16xf32>,
      %add3A_153 = arith.addf %add3A_146, %get3A_152 : vector<16xf32>
      %mul3A_154 = arith.constant 16 : i32
      %mul3A_155 = arith.muli %scan3A_97, %mul3A_154 : i32
      %add3A_156 = arith.constant 5120 : i32
      %add3A_157 = arith.addi %add3A_156, %mul3A_155 : i32
      %get3A_158 = arith.index_cast %add3A_157 : i32 to index
      %get3A_159 = tpu.vector_load %arg6[%get3A_158] {strides = array<i32>} : memref<10240xf32, #tpu.memory_space<vmem>>, vector<16xf32>,
      %add3A_160 = arith.addf %add3A_153, %get3A_159 : vector<16xf32>
      %mul3A_161 = arith.constant 16 : i32
      %mul3A_162 = arith.muli %scan3A_97, %mul3A_161 : i32
      %add3A_163 = arith.constant 5760 : i32
      %add3A_164 = arith.addi %add3A_163, %mul3A_162 : i32
      %get3A_165 = arith.index_cast %add3A_164 : i32 to index
      %get3A_166 = tpu.vector_load %arg6[%get3A_165] {strides = array<i32>} : memref<10240xf32, #tpu.memory_space<vmem>>, vector<16xf32>,
      %add3A_167 = arith.addf %add3A_160, %get3A_166 : vector<16xf32>
      %mul3A_168 = arith.constant 16 : i32
      %mul3A_169 = arith.muli %scan3A_97, %mul3A_168 : i32
      %add3A_170 = arith.constant 6400 : i32
      %add3A_171 = arith.addi %add3A_170, %mul3A_169 : i32
      %get3A_172 = arith.index_cast %add3A_171 : i32 to index
      %get3A_173 = tpu.vector_load %arg6[%get3A_172] {strides = array<i32>} : memref<10240xf32, #tpu.memory_space<vmem>>, vector<16xf32>,
      %add3A_174 = arith.addf %add3A_167, %get3A_173 : vector<16xf32>
      %mul3A_175 = arith.constant 16 : i32
      %mul3A_176 = arith.muli %scan3A_97, %mul3A_175 : i32
      %add3A_177 = arith.constant 7040 : i32
      %add3A_178 = arith.addi %add3A_177, %mul3A_176 : i32
      %get3A_179 = arith.index_cast %add3A_178 : i32 to index
      %get3A_180 = tpu.vector_load %arg6[%get3A_179] {strides = array<i32>} : memref<10240xf32, #tpu.memory_space<vmem>>, vector<16xf32>,
      %add3A_181 = arith.addf %add3A_174, %get3A_180 : vector<16xf32>
      %mul3A_182 = arith.constant 16 : i32
      %mul3A_183 = arith.muli %scan3A_97, %mul3A_182 : i32
      %add3A_184 = arith.constant 7680 : i32
      %add3A_185 = arith.addi %add3A_184, %mul3A_183 : i32
      %get3A_186 = arith.index_cast %add3A_185 : i32 to index
      %get3A_187 = tpu.vector_load %arg6[%get3A_186] {strides = array<i32>} : memref<10240xf32, #tpu.memory_space<vmem>>, vector<16xf32>,
      %add3A_188 = arith.addf %add3A_181, %get3A_187 : vector<16xf32>
      %mul3A_189 = arith.constant 16 : i32
      %mul3A_190 = arith.muli %scan3A_97, %mul3A_189 : i32
      %add3A_191 = arith.constant 8320 : i32
      %add3A_192 = arith.addi %add3A_191, %mul3A_190 : i32
      %get3A_193 = arith.index_cast %add3A_192 : i32 to index
      %get3A_194 = tpu.vector_load %arg6[%get3A_193] {strides = array<i32>} : memref<10240xf32, #tpu.memory_space<vmem>>, vector<16xf32>,
      %add3A_195 = arith.addf %add3A_188, %get3A_194 : vector<16xf32>
      %mul3A_196 = arith.constant 16 : i32
      %mul3A_197 = arith.muli %scan3A_97, %mul3A_196 : i32
      %add3A_198 = arith.constant 8960 : i32
      %add3A_199 = arith.addi %add3A_198, %mul3A_197 : i32
      %get3A_200 = arith.index_cast %add3A_199 : i32 to index
      %get3A_201 = tpu.vector_load %arg6[%get3A_200] {strides = array<i32>} : memref<10240xf32, #tpu.memory_space<vmem>>, vector<16xf32>,
      %add3A_202 = arith.addf %add3A_195, %get3A_201 : vector<16xf32>
      %mul3A_203 = arith.constant 16 : i32
      %mul3A_204 = arith.muli %scan3A_97, %mul3A_203 : i32
      %add3A_205 = arith.constant 9600 : i32
      %add3A_206 = arith.addi %add3A_205, %mul3A_204 : i32
      %get3A_207 = arith.index_cast %add3A_206 : i32 to index
      %get3A_208 = tpu.vector_load %arg6[%get3A_207] {strides = array<i32>} : memref<10240xf32, #tpu.memory_space<vmem>>, vector<16xf32>,
      %add3A_209 = arith.addf %add3A_202, %get3A_208 : vector<16xf32>
      %mul3A_210 = arith.constant 16 : i32
      %mul3A_211 = arith.muli %scan3A_97, %mul3A_210 : i32
      %swap3A = arith.index_cast %mul3A_211 : i32 to index
      %swap3A_212 = tpu.vector_load %arg7[%swap3A] {strides = array<i32>} : memref<640xf32, #tpu.memory_space<vmem>>, vector<16xf32>,
      tpu.vector_store %arg7[%swap3A], %add3A_209 {strides = array<i32>} : memref<640xf32, #tpu.memory_space<vmem>>, vector<16xf32>,
      %scan3A_213 = arith.constant 0 : i32
      scf.yield %scan3A_213 : i32
    }
    %scan3A_91 = arith.constant 40 : i32
    %mul3A_92 = arith.constant 10240 : i32
    %mul3A_93 = arith.muli %arg0, %mul3A_92 : i32
    %mul3A_94 = arith.constant 640 : i32
    %mul3A_95 = arith.muli %arg1, %mul3A_94 : i32
    %add3A_96 = arith.addi %mul3A_93, %mul3A_95 : i32
    "tpu.region"() ({
      %run_scoped3A = tpu.sem_alloc : memref<!tpu.dma_semaphore, #tpu.memory_space<semaphore_mem>>
      %dma_start3A = tpu.memref_slice %arg3[%add3A_96] : memref<20480xf32, #tpu.memory_space<hbm>> -> memref<640xf32, #tpu.memory_space<hbm>>
      %dma_start3A_97 = tpu.memref_slice %arg3[%add3A_96] : memref<20480xf32, #tpu.memory_space<hbm>> -> memref<640xf32, #tpu.memory_space<hbm>>
      tpu.enqueue_dma source(%arg7 : memref<640xf32, #tpu.memory_space<vmem>>) target(%dma_start3A_97 : memref<640xf32, #tpu.memory_space<hbm>>) target_semaphore(%run_scoped3A : memref<!tpu.dma_semaphore, #tpu.memory_space<semaphore_mem>>)
      %dma_wait3A = tpu.memref_slice %arg3[%add3A_96] : memref<20480xf32, #tpu.memory_space<hbm>> -> memref<640xf32, #tpu.memory_space<hbm>>
      %dma_wait3A_98 = tpu.memref_slice %arg3[%add3A_96] : memref<20480xf32, #tpu.memory_space<hbm>> -> memref<640xf32, #tpu.memory_space<hbm>>
      tpu.wait_dma2 semaphore(%run_scoped3A : memref<!tpu.dma_semaphore, #tpu.memory_space<semaphore_mem>>) src(%arg7 : memref<640xf32, #tpu.memory_space<vmem>>) dst(%dma_wait3A_98 : memref<640xf32, #tpu.memory_space<hbm>>)
      tpu.yield
    }) : () -> ()
    return
  }
}

#map = affine_map<(d0, d1) -> (0, 0)>
#map1 = affine_map<(d0, d1) -> (0)>
#map2 = affine_map<(d0, d1) -> (0, 0, 0)>
module attributes {stable_mosaic.version = 14 : i64} {
  func.func @agg_kernel(%arg0: i32, %arg1: i32, %arg2: memref<10000x128xf32, #tpu.memory_space<hbm>>, %arg3: memref<165888xi32, #tpu.memory_space<hbm>>, %arg4: memref<32x81x64xi32, #tpu.memory_space<hbm>>, %arg5: memref<640x128xf32, #tpu.memory_space<hbm>>, %arg6: memref<20480x128xf32, #tpu.memory_space<hbm>>, %arg7: memref<5184xi32, #tpu.memory_space<vmem>>, %arg8: memref<81x64xi32, #tpu.memory_space<vmem>>, %arg9: memref<3x64x128xf32, #tpu.memory_space<vmem>>, %arg10: memref<10240x128xf32, #tpu.memory_space<vmem_shared>>, %arg11: memref<!tpu.dma_semaphore, #tpu.memory_space<semaphore_mem>>, %arg12: memref<!tpu.dma_semaphore, #tpu.memory_space<semaphore_mem>>, %arg13: memref<!tpu.dma_semaphore, #tpu.memory_space<semaphore_mem>>, %arg14: memref<!tpu.dma_semaphore, #tpu.memory_space<semaphore_mem>>, %arg15: memref<!tpu.dma_semaphore, #tpu.memory_space<semaphore_mem>>, %arg16: memref<!tpu.dma_semaphore, #tpu.memory_space<semaphore_mem>>) attributes {dimension_semantics = [#tpu.dimension_semantics<core_parallel>, #tpu.dimension_semantics<subcore_parallel>], iteration_bounds = array<i64: 2, 16>, scalar_prefetch = 0 : i64, scratch_operands = 10 : i64, tpu.core_type = #tpu.core_type<sc_vector_subcore>, window_params = [{transform_indices = #map}, {transform_indices = #map1}, {transform_indices = #map2}, {transform_indices = #map}, {transform_indices = #map}]} {
    %mul3A = arith.constant 2 : i32
    %mul3A_0 = arith.muli %arg1, %mul3A : i32
    %add3A = arith.addi %mul3A_0, %arg0 : i32
    %mul3A_1 = arith.constant 640 : i32
    %mul3A_2 = arith.muli %arg1, %mul3A_1 : i32
    "tpu.region"() ({
      %run_scoped3A = tpu.sem_alloc : memref<!tpu.dma_semaphore, #tpu.memory_space<semaphore_mem>>
      %dma_start3A_75 = arith.constant 0 : i32
      %dma_start3A_76 = tpu.memref_slice %arg10[%mul3A_2, %dma_start3A_75] : memref<10240x128xf32, #tpu.memory_space<vmem_shared>> -> memref<640x128xf32, #tpu.memory_space<vmem_shared>>
      tpu.enqueue_dma source(%arg5 : memref<640x128xf32, #tpu.memory_space<hbm>>) target(%dma_start3A_76 : memref<640x128xf32, #tpu.memory_space<vmem_shared>>) target_semaphore(%run_scoped3A : memref<!tpu.dma_semaphore, #tpu.memory_space<semaphore_mem>>)
      %dma_wait3A_77 = arith.constant 0 : i32
      %dma_wait3A_78 = tpu.memref_slice %arg10[%mul3A_2, %dma_wait3A_77] : memref<10240x128xf32, #tpu.memory_space<vmem_shared>> -> memref<640x128xf32, #tpu.memory_space<vmem_shared>>
      tpu.wait_dma2 semaphore(%run_scoped3A : memref<!tpu.dma_semaphore, #tpu.memory_space<semaphore_mem>>) src(%arg5 : memref<640x128xf32, #tpu.memory_space<hbm>>) dst(%dma_wait3A_78 : memref<640x128xf32, #tpu.memory_space<vmem_shared>>)
      tpu.yield
    }) : () -> ()
    %mul3A_3 = arith.constant 81 : i32
    %mul3A_4 = arith.muli %add3A, %mul3A_3 : i32
    %mul3A_5 = arith.constant 64 : i32
    %mul3A_6 = arith.muli %mul3A_4, %mul3A_5 : i32
    "tpu.region"() ({
      %run_scoped3A = tpu.sem_alloc : memref<!tpu.dma_semaphore, #tpu.memory_space<semaphore_mem>>
      %dma_start3A_75 = tpu.memref_slice %arg3[%mul3A_6] : memref<165888xi32, #tpu.memory_space<hbm>> -> memref<5184xi32, #tpu.memory_space<hbm>>
      %dma_start3A_76 = tpu.memref_slice %arg3[%mul3A_6] : memref<165888xi32, #tpu.memory_space<hbm>> -> memref<5184xi32, #tpu.memory_space<hbm>>
      tpu.enqueue_dma source(%dma_start3A_76 : memref<5184xi32, #tpu.memory_space<hbm>>) target(%arg7 : memref<5184xi32, #tpu.memory_space<vmem>>) target_semaphore(%run_scoped3A : memref<!tpu.dma_semaphore, #tpu.memory_space<semaphore_mem>>)
      %dma_wait3A_77 = tpu.memref_slice %arg3[%mul3A_6] : memref<165888xi32, #tpu.memory_space<hbm>> -> memref<5184xi32, #tpu.memory_space<hbm>>
      %dma_wait3A_78 = tpu.memref_slice %arg3[%mul3A_6] : memref<165888xi32, #tpu.memory_space<hbm>> -> memref<5184xi32, #tpu.memory_space<hbm>>
      tpu.wait_dma2 semaphore(%run_scoped3A : memref<!tpu.dma_semaphore, #tpu.memory_space<semaphore_mem>>) src(%dma_wait3A_78 : memref<5184xi32, #tpu.memory_space<hbm>>) dst(%arg7 : memref<5184xi32, #tpu.memory_space<vmem>>)
      tpu.yield
    }) : () -> ()
    "tpu.region"() ({
      %run_scoped3A = tpu.sem_alloc : memref<!tpu.dma_semaphore, #tpu.memory_space<semaphore_mem>>
      %dma_start3A_75 = arith.constant 0 : i32
      %dma_start3A_76 = arith.constant 0 : i32
      %dma_start3A_77 = tpu.memref_slice %arg4[%add3A, %dma_start3A_75, %dma_start3A_76] : memref<32x81x64xi32, #tpu.memory_space<hbm>> -> memref<1x81x64xi32, #tpu.memory_space<hbm>>
      %dma_start3A_78 = tpu.memref_squeeze %dma_start3A_77 : memref<1x81x64xi32, #tpu.memory_space<hbm>> -> memref<81x64xi32, #tpu.memory_space<hbm>>
      %dma_start3A_79 = arith.constant 0 : i32
      %dma_start3A_80 = arith.constant 0 : i32
      %dma_start3A_81 = tpu.memref_slice %arg4[%add3A, %dma_start3A_79, %dma_start3A_80] : memref<32x81x64xi32, #tpu.memory_space<hbm>> -> memref<1x81x64xi32, #tpu.memory_space<hbm>>
      %dma_start3A_82 = tpu.memref_squeeze %dma_start3A_81 : memref<1x81x64xi32, #tpu.memory_space<hbm>> -> memref<81x64xi32, #tpu.memory_space<hbm>>
      tpu.enqueue_dma source(%dma_start3A_82 : memref<81x64xi32, #tpu.memory_space<hbm>>) target(%arg8 : memref<81x64xi32, #tpu.memory_space<vmem>>) target_semaphore(%run_scoped3A : memref<!tpu.dma_semaphore, #tpu.memory_space<semaphore_mem>>)
      %dma_wait3A_83 = arith.constant 0 : i32
      %dma_wait3A_84 = arith.constant 0 : i32
      %dma_wait3A_85 = tpu.memref_slice %arg4[%add3A, %dma_wait3A_83, %dma_wait3A_84] : memref<32x81x64xi32, #tpu.memory_space<hbm>> -> memref<1x81x64xi32, #tpu.memory_space<hbm>>
      %dma_wait3A_86 = tpu.memref_squeeze %dma_wait3A_85 : memref<1x81x64xi32, #tpu.memory_space<hbm>> -> memref<81x64xi32, #tpu.memory_space<hbm>>
      %dma_wait3A_87 = arith.constant 0 : i32
      %dma_wait3A_88 = arith.constant 0 : i32
      %dma_wait3A_89 = tpu.memref_slice %arg4[%add3A, %dma_wait3A_87, %dma_wait3A_88] : memref<32x81x64xi32, #tpu.memory_space<hbm>> -> memref<1x81x64xi32, #tpu.memory_space<hbm>>
      %dma_wait3A_90 = tpu.memref_squeeze %dma_wait3A_89 : memref<1x81x64xi32, #tpu.memory_space<hbm>> -> memref<81x64xi32, #tpu.memory_space<hbm>>
      tpu.wait_dma2 semaphore(%run_scoped3A : memref<!tpu.dma_semaphore, #tpu.memory_space<semaphore_mem>>) src(%dma_wait3A_90 : memref<81x64xi32, #tpu.memory_space<hbm>>) dst(%arg8 : memref<81x64xi32, #tpu.memory_space<vmem>>)
      tpu.yield
    }) : () -> ()
    %barrier3A = arith.constant 0 : index
    tpu.barrier barrier_id(%barrier3A)
    %dma_start3A = arith.constant 0 : i32
    %dma_start3A_7 = arith.constant 0 : i32
    %dma_start3A_8 = arith.constant 0 : i32
    %dma_start3A_9 = tpu.memref_slice %arg9[%dma_start3A, %dma_start3A_7, %dma_start3A_8] : memref<3x64x128xf32, #tpu.memory_space<vmem>> -> memref<1x64x128xf32, #tpu.memory_space<vmem>>
    %dma_start3A_10 = tpu.memref_squeeze %dma_start3A_9 : memref<1x64x128xf32, #tpu.memory_space<vmem>> -> memref<64x128xf32, #tpu.memory_space<vmem>>
    %dma_start3A_11 = arith.constant 0 : i32
    %dma_start3A_12 = tpu.memref_slice %arg7[%dma_start3A_11] : memref<5184xi32, #tpu.memory_space<vmem>> -> memref<64xi32, #tpu.memory_space<vmem>>
    %dma_start3A_13 = arith.constant 0 : i32
    %dma_start3A_14 = arith.constant 0 : i32
    %dma_start3A_15 = tpu.memref_slice %arg2[%dma_start3A_13, %dma_start3A_14] : memref<10000x128xf32, #tpu.memory_space<hbm>> -> memref<10000x128xf32, #tpu.memory_space<hbm>>
    tpu.enqueue_indirect_dma source(%dma_start3A_15 : memref<10000x128xf32, #tpu.memory_space<hbm>>) target(%dma_start3A_10 : memref<64x128xf32, #tpu.memory_space<vmem>>) offsets(%dma_start3A_12 : memref<64xi32, #tpu.memory_space<vmem>>) semaphore(%arg11 : memref<!tpu.dma_semaphore, #tpu.memory_space<semaphore_mem>>)
    %dma_start3A_16 = arith.constant 1 : i32
    %dma_start3A_17 = arith.constant 0 : i32
    %dma_start3A_18 = arith.constant 0 : i32
    %dma_start3A_19 = tpu.memref_slice %arg9[%dma_start3A_16, %dma_start3A_17, %dma_start3A_18] : memref<3x64x128xf32, #tpu.memory_space<vmem>> -> memref<1x64x128xf32, #tpu.memory_space<vmem>>
    %dma_start3A_20 = tpu.memref_squeeze %dma_start3A_19 : memref<1x64x128xf32, #tpu.memory_space<vmem>> -> memref<64x128xf32, #tpu.memory_space<vmem>>
    %dma_start3A_21 = arith.constant 64 : i32
    %dma_start3A_22 = tpu.memref_slice %arg7[%dma_start3A_21] : memref<5184xi32, #tpu.memory_space<vmem>> -> memref<64xi32, #tpu.memory_space<vmem>>
    %dma_start3A_23 = arith.constant 0 : i32
    %dma_start3A_24 = arith.constant 0 : i32
    %dma_start3A_25 = tpu.memref_slice %arg2[%dma_start3A_23, %dma_start3A_24] : memref<10000x128xf32, #tpu.memory_space<hbm>> -> memref<10000x128xf32, #tpu.memory_space<hbm>>
    tpu.enqueue_indirect_dma source(%dma_start3A_25 : memref<10000x128xf32, #tpu.memory_space<hbm>>) target(%dma_start3A_20 : memref<64x128xf32, #tpu.memory_space<vmem>>) offsets(%dma_start3A_22 : memref<64xi32, #tpu.memory_space<vmem>>) semaphore(%arg12 : memref<!tpu.dma_semaphore, #tpu.memory_space<semaphore_mem>>)
    %scan3A = arith.constant 0 : i32
    %scan3A_26 = arith.constant 0 : i32
    %scan3A_27 = arith.constant 27 : i32
    %scan3A_28 = arith.addi %scan3A_26, %scan3A_27 : i32
    %scan3A_29 = arith.constant 1 : i32
    %scan3A_30 = scf.for %scan3A_75 = %scan3A_26 to %scan3A_28 step %scan3A_29 iter_args(%scan3A_76 = %scan3A) -> (i32)  : i32 {
      %mul3A_77 = arith.constant 3 : i32
      %mul3A_78 = arith.muli %scan3A_75, %mul3A_77 : i32
      %add3A_79 = arith.constant 0 : i32
      %add3A_80 = arith.addi %mul3A_78, %add3A_79 : i32
      %mul3A_81 = arith.constant 64 : i32
      %mul3A_82 = arith.muli %add3A_80, %mul3A_81 : i32
      %dma_wait3A_83 = arith.constant 0 : i32
      %dma_wait3A_84 = arith.constant 0 : i32
      %dma_wait3A_85 = arith.constant 0 : i32
      %dma_wait3A_86 = tpu.memref_slice %arg9[%dma_wait3A_83, %dma_wait3A_84, %dma_wait3A_85] : memref<3x64x128xf32, #tpu.memory_space<vmem>> -> memref<1x64x128xf32, #tpu.memory_space<vmem>>
      %dma_wait3A_87 = tpu.memref_squeeze %dma_wait3A_86 : memref<1x64x128xf32, #tpu.memory_space<vmem>> -> memref<64x128xf32, #tpu.memory_space<vmem>>
      %dma_wait3A_88 = tpu.memref_slice %arg7[%mul3A_82] : memref<5184xi32, #tpu.memory_space<vmem>> -> memref<64xi32, #tpu.memory_space<vmem>>
      %dma_wait3A_89 = arith.constant 0 : i32
      %dma_wait3A_90 = arith.constant 0 : i32
      %dma_wait3A_91 = tpu.memref_slice %arg2[%dma_wait3A_89, %dma_wait3A_90] : memref<10000x128xf32, #tpu.memory_space<hbm>> -> memref<10000x128xf32, #tpu.memory_space<hbm>>
      tpu.wait_indirect_dma semaphore(%arg11 : memref<!tpu.dma_semaphore, #tpu.memory_space<semaphore_mem>>) src(%dma_wait3A_91 : memref<10000x128xf32, #tpu.memory_space<hbm>>) dst(%dma_wait3A_87 : memref<64x128xf32, #tpu.memory_space<vmem>>)
      %dma_start3A_92 = arith.constant 0 : i32
      %dma_start3A_93 = arith.constant 0 : i32
      %dma_start3A_94 = arith.constant 0 : i32
      %dma_start3A_95 = tpu.memref_slice %arg9[%dma_start3A_92, %dma_start3A_93, %dma_start3A_94] : memref<3x64x128xf32, #tpu.memory_space<vmem>> -> memref<1x64x128xf32, #tpu.memory_space<vmem>>
      %dma_start3A_96 = tpu.memref_squeeze %dma_start3A_95 : memref<1x64x128xf32, #tpu.memory_space<vmem>> -> memref<64x128xf32, #tpu.memory_space<vmem>>
      %dma_start3A_97 = arith.constant 0 : i32
      %dma_start3A_98 = tpu.memref_slice %arg8[%add3A_80, %dma_start3A_97] : memref<81x64xi32, #tpu.memory_space<vmem>> -> memref<1x64xi32, #tpu.memory_space<vmem>>
      %dma_start3A_99 = tpu.memref_squeeze %dma_start3A_98 : memref<1x64xi32, #tpu.memory_space<vmem>> -> memref<64xi32, #tpu.memory_space<vmem>>
      %dma_start3A_100 = arith.constant 0 : i32
      %dma_start3A_101 = arith.constant 0 : i32
      %dma_start3A_102 = tpu.memref_slice %arg10[%dma_start3A_100, %dma_start3A_101] : memref<10240x128xf32, #tpu.memory_space<vmem_shared>> -> memref<10240x128xf32, #tpu.memory_space<vmem_shared>>
      tpu.enqueue_indirect_dma source(%dma_start3A_96 : memref<64x128xf32, #tpu.memory_space<vmem>>) target(%dma_start3A_102 : memref<10240x128xf32, #tpu.memory_space<vmem_shared>>) offsets(%dma_start3A_99 : memref<64xi32, #tpu.memory_space<vmem>>) semaphore(%arg14 : memref<!tpu.dma_semaphore, #tpu.memory_space<semaphore_mem>>) {add = true}
      %add3A_103 = arith.constant 2 : i32
      %add3A_104 = arith.addi %add3A_80, %add3A_103 : i32
      %lt3A = arith.constant 81 : i32
      %lt3A_105 = arith.cmpi slt, %add3A_104, %lt3A : i32
      %convert_element_type3A = arith.extui %lt3A_105 : i1 to i32
      %cond3A = arith.constant 0 : i32
      %cond3A_106 = arith.cmpi ne, %convert_element_type3A, %cond3A : i32
      scf.if %cond3A_106 {
        %ge3A = arith.constant 3 : i32
        %ge3A_174 = arith.cmpi sge, %add3A_104, %ge3A : i32
        %convert_element_type3A_175 = arith.extui %ge3A_174 : i1 to i32
        %cond3A_176 = arith.constant 0 : i32
        %cond3A_177 = arith.cmpi ne, %convert_element_type3A_175, %cond3A_176 : i32
        scf.if %cond3A_177 {
          %dma_wait3A_189 = arith.constant 2 : i32
          %dma_wait3A_190 = arith.constant 0 : i32
          %dma_wait3A_191 = arith.constant 0 : i32
          %dma_wait3A_192 = tpu.memref_slice %arg9[%dma_wait3A_189, %dma_wait3A_190, %dma_wait3A_191] : memref<3x64x128xf32, #tpu.memory_space<vmem>> -> memref<1x64x128xf32, #tpu.memory_space<vmem>>
          %dma_wait3A_193 = tpu.memref_squeeze %dma_wait3A_192 : memref<1x64x128xf32, #tpu.memory_space<vmem>> -> memref<64x128xf32, #tpu.memory_space<vmem>>
          %dma_wait3A_194 = arith.constant 0 : i32
          %dma_wait3A_195 = tpu.memref_slice %arg8[%add3A_80, %dma_wait3A_194] : memref<81x64xi32, #tpu.memory_space<vmem>> -> memref<1x64xi32, #tpu.memory_space<vmem>>
          %dma_wait3A_196 = tpu.memref_squeeze %dma_wait3A_195 : memref<1x64xi32, #tpu.memory_space<vmem>> -> memref<64xi32, #tpu.memory_space<vmem>>
          %dma_wait3A_197 = arith.constant 0 : i32
          %dma_wait3A_198 = arith.constant 0 : i32
          %dma_wait3A_199 = tpu.memref_slice %arg10[%dma_wait3A_197, %dma_wait3A_198] : memref<10240x128xf32, #tpu.memory_space<vmem_shared>> -> memref<10240x128xf32, #tpu.memory_space<vmem_shared>>
          tpu.wait_indirect_dma semaphore(%arg16 : memref<!tpu.dma_semaphore, #tpu.memory_space<semaphore_mem>>) src(%dma_wait3A_193 : memref<64x128xf32, #tpu.memory_space<vmem>>) dst(%dma_wait3A_199 : memref<10240x128xf32, #tpu.memory_space<vmem_shared>>)
        } else {
        }
        %mul3A_178 = arith.constant 64 : i32
        %mul3A_179 = arith.muli %add3A_104, %mul3A_178 : i32
        %dma_start3A_180 = arith.constant 2 : i32
        %dma_start3A_181 = arith.constant 0 : i32
        %dma_start3A_182 = arith.constant 0 : i32
        %dma_start3A_183 = tpu.memref_slice %arg9[%dma_start3A_180, %dma_start3A_181, %dma_start3A_182] : memref<3x64x128xf32, #tpu.memory_space<vmem>> -> memref<1x64x128xf32, #tpu.memory_space<vmem>>
        %dma_start3A_184 = tpu.memref_squeeze %dma_start3A_183 : memref<1x64x128xf32, #tpu.memory_space<vmem>> -> memref<64x128xf32, #tpu.memory_space<vmem>>
        %dma_start3A_185 = tpu.memref_slice %arg7[%mul3A_179] : memref<5184xi32, #tpu.memory_space<vmem>> -> memref<64xi32, #tpu.memory_space<vmem>>
        %dma_start3A_186 = arith.constant 0 : i32
        %dma_start3A_187 = arith.constant 0 : i32
        %dma_start3A_188 = tpu.memref_slice %arg2[%dma_start3A_186, %dma_start3A_187] : memref<10000x128xf32, #tpu.memory_space<hbm>> -> memref<10000x128xf32, #tpu.memory_space<hbm>>
        tpu.enqueue_indirect_dma source(%dma_start3A_188 : memref<10000x128xf32, #tpu.memory_space<hbm>>) target(%dma_start3A_184 : memref<64x128xf32, #tpu.memory_space<vmem>>) offsets(%dma_start3A_185 : memref<64xi32, #tpu.memory_space<vmem>>) semaphore(%arg13 : memref<!tpu.dma_semaphore, #tpu.memory_space<semaphore_mem>>)
      } else {
      }
      %mul3A_107 = arith.constant 3 : i32
      %mul3A_108 = arith.muli %scan3A_75, %mul3A_107 : i32
      %add3A_109 = arith.constant 1 : i32
      %add3A_110 = arith.addi %mul3A_108, %add3A_109 : i32
      %mul3A_111 = arith.constant 64 : i32
      %mul3A_112 = arith.muli %add3A_110, %mul3A_111 : i32
      %dma_wait3A_113 = arith.constant 1 : i32
      %dma_wait3A_114 = arith.constant 0 : i32
      %dma_wait3A_115 = arith.constant 0 : i32
      %dma_wait3A_116 = tpu.memref_slice %arg9[%dma_wait3A_113, %dma_wait3A_114, %dma_wait3A_115] : memref<3x64x128xf32, #tpu.memory_space<vmem>> -> memref<1x64x128xf32, #tpu.memory_space<vmem>>
      %dma_wait3A_117 = tpu.memref_squeeze %dma_wait3A_116 : memref<1x64x128xf32, #tpu.memory_space<vmem>> -> memref<64x128xf32, #tpu.memory_space<vmem>>
      %dma_wait3A_118 = tpu.memref_slice %arg7[%mul3A_112] : memref<5184xi32, #tpu.memory_space<vmem>> -> memref<64xi32, #tpu.memory_space<vmem>>
      %dma_wait3A_119 = arith.constant 0 : i32
      %dma_wait3A_120 = arith.constant 0 : i32
      %dma_wait3A_121 = tpu.memref_slice %arg2[%dma_wait3A_119, %dma_wait3A_120] : memref<10000x128xf32, #tpu.memory_space<hbm>> -> memref<10000x128xf32, #tpu.memory_space<hbm>>
      tpu.wait_indirect_dma semaphore(%arg12 : memref<!tpu.dma_semaphore, #tpu.memory_space<semaphore_mem>>) src(%dma_wait3A_121 : memref<10000x128xf32, #tpu.memory_space<hbm>>) dst(%dma_wait3A_117 : memref<64x128xf32, #tpu.memory_space<vmem>>)
      %dma_start3A_122 = arith.constant 1 : i32
      %dma_start3A_123 = arith.constant 0 : i32
      %dma_start3A_124 = arith.constant 0 : i32
      %dma_start3A_125 = tpu.memref_slice %arg9[%dma_start3A_122, %dma_start3A_123, %dma_start3A_124] : memref<3x64x128xf32, #tpu.memory_space<vmem>> -> memref<1x64x128xf32, #tpu.memory_space<vmem>>
      %dma_start3A_126 = tpu.memref_squeeze %dma_start3A_125 : memref<1x64x128xf32, #tpu.memory_space<vmem>> -> memref<64x128xf32, #tpu.memory_space<vmem>>
      %dma_start3A_127 = arith.constant 0 : i32
      %dma_start3A_128 = tpu.memref_slice %arg8[%add3A_110, %dma_start3A_127] : memref<81x64xi32, #tpu.memory_space<vmem>> -> memref<1x64xi32, #tpu.memory_space<vmem>>
      %dma_start3A_129 = tpu.memref_squeeze %dma_start3A_128 : memref<1x64xi32, #tpu.memory_space<vmem>> -> memref<64xi32, #tpu.memory_space<vmem>>
      %dma_start3A_130 = arith.constant 0 : i32
      %dma_start3A_131 = arith.constant 0 : i32
      %dma_start3A_132 = tpu.memref_slice %arg10[%dma_start3A_130, %dma_start3A_131] : memref<10240x128xf32, #tpu.memory_space<vmem_shared>> -> memref<10240x128xf32, #tpu.memory_space<vmem_shared>>
      tpu.enqueue_indirect_dma source(%dma_start3A_126 : memref<64x128xf32, #tpu.memory_space<vmem>>) target(%dma_start3A_132 : memref<10240x128xf32, #tpu.memory_space<vmem_shared>>) offsets(%dma_start3A_129 : memref<64xi32, #tpu.memory_space<vmem>>) semaphore(%arg15 : memref<!tpu.dma_semaphore, #tpu.memory_space<semaphore_mem>>) {add = true}
      %add3A_133 = arith.constant 2 : i32
      %add3A_134 = arith.addi %add3A_110, %add3A_133 : i32
      %lt3A_135 = arith.constant 81 : i32
      %lt3A_136 = arith.cmpi slt, %add3A_134, %lt3A_135 : i32
      %convert_element_type3A_137 = arith.extui %lt3A_136 : i1 to i32
      %cond3A_138 = arith.constant 0 : i32
      %cond3A_139 = arith.cmpi ne, %convert_element_type3A_137, %cond3A_138 : i32
      scf.if %cond3A_139 {
        %ge3A = arith.constant 3 : i32
        %ge3A_174 = arith.cmpi sge, %add3A_134, %ge3A : i32
        %convert_element_type3A_175 = arith.extui %ge3A_174 : i1 to i32
        %cond3A_176 = arith.constant 0 : i32
        %cond3A_177 = arith.cmpi ne, %convert_element_type3A_175, %cond3A_176 : i32
        scf.if %cond3A_177 {
          %dma_wait3A_189 = arith.constant 0 : i32
          %dma_wait3A_190 = arith.constant 0 : i32
          %dma_wait3A_191 = arith.constant 0 : i32
          %dma_wait3A_192 = tpu.memref_slice %arg9[%dma_wait3A_189, %dma_wait3A_190, %dma_wait3A_191] : memref<3x64x128xf32, #tpu.memory_space<vmem>> -> memref<1x64x128xf32, #tpu.memory_space<vmem>>
          %dma_wait3A_193 = tpu.memref_squeeze %dma_wait3A_192 : memref<1x64x128xf32, #tpu.memory_space<vmem>> -> memref<64x128xf32, #tpu.memory_space<vmem>>
          %dma_wait3A_194 = arith.constant 0 : i32
          %dma_wait3A_195 = tpu.memref_slice %arg8[%add3A_110, %dma_wait3A_194] : memref<81x64xi32, #tpu.memory_space<vmem>> -> memref<1x64xi32, #tpu.memory_space<vmem>>
          %dma_wait3A_196 = tpu.memref_squeeze %dma_wait3A_195 : memref<1x64xi32, #tpu.memory_space<vmem>> -> memref<64xi32, #tpu.memory_space<vmem>>
          %dma_wait3A_197 = arith.constant 0 : i32
          %dma_wait3A_198 = arith.constant 0 : i32
          %dma_wait3A_199 = tpu.memref_slice %arg10[%dma_wait3A_197, %dma_wait3A_198] : memref<10240x128xf32, #tpu.memory_space<vmem_shared>> -> memref<10240x128xf32, #tpu.memory_space<vmem_shared>>
          tpu.wait_indirect_dma semaphore(%arg14 : memref<!tpu.dma_semaphore, #tpu.memory_space<semaphore_mem>>) src(%dma_wait3A_193 : memref<64x128xf32, #tpu.memory_space<vmem>>) dst(%dma_wait3A_199 : memref<10240x128xf32, #tpu.memory_space<vmem_shared>>)
        } else {
        }
        %mul3A_178 = arith.constant 64 : i32
        %mul3A_179 = arith.muli %add3A_134, %mul3A_178 : i32
        %dma_start3A_180 = arith.constant 0 : i32
        %dma_start3A_181 = arith.constant 0 : i32
        %dma_start3A_182 = arith.constant 0 : i32
        %dma_start3A_183 = tpu.memref_slice %arg9[%dma_start3A_180, %dma_start3A_181, %dma_start3A_182] : memref<3x64x128xf32, #tpu.memory_space<vmem>> -> memref<1x64x128xf32, #tpu.memory_space<vmem>>
        %dma_start3A_184 = tpu.memref_squeeze %dma_start3A_183 : memref<1x64x128xf32, #tpu.memory_space<vmem>> -> memref<64x128xf32, #tpu.memory_space<vmem>>
        %dma_start3A_185 = tpu.memref_slice %arg7[%mul3A_179] : memref<5184xi32, #tpu.memory_space<vmem>> -> memref<64xi32, #tpu.memory_space<vmem>>
        %dma_start3A_186 = arith.constant 0 : i32
        %dma_start3A_187 = arith.constant 0 : i32
        %dma_start3A_188 = tpu.memref_slice %arg2[%dma_start3A_186, %dma_start3A_187] : memref<10000x128xf32, #tpu.memory_space<hbm>> -> memref<10000x128xf32, #tpu.memory_space<hbm>>
        tpu.enqueue_indirect_dma source(%dma_start3A_188 : memref<10000x128xf32, #tpu.memory_space<hbm>>) target(%dma_start3A_184 : memref<64x128xf32, #tpu.memory_space<vmem>>) offsets(%dma_start3A_185 : memref<64xi32, #tpu.memory_space<vmem>>) semaphore(%arg11 : memref<!tpu.dma_semaphore, #tpu.memory_space<semaphore_mem>>)
      } else {
      }
      %mul3A_140 = arith.constant 3 : i32
      %mul3A_141 = arith.muli %scan3A_75, %mul3A_140 : i32
      %add3A_142 = arith.constant 2 : i32
      %add3A_143 = arith.addi %mul3A_141, %add3A_142 : i32
      %mul3A_144 = arith.constant 64 : i32
      %mul3A_145 = arith.muli %add3A_143, %mul3A_144 : i32
      %dma_wait3A_146 = arith.constant 2 : i32
      %dma_wait3A_147 = arith.constant 0 : i32
      %dma_wait3A_148 = arith.constant 0 : i32
      %dma_wait3A_149 = tpu.memref_slice %arg9[%dma_wait3A_146, %dma_wait3A_147, %dma_wait3A_148] : memref<3x64x128xf32, #tpu.memory_space<vmem>> -> memref<1x64x128xf32, #tpu.memory_space<vmem>>
      %dma_wait3A_150 = tpu.memref_squeeze %dma_wait3A_149 : memref<1x64x128xf32, #tpu.memory_space<vmem>> -> memref<64x128xf32, #tpu.memory_space<vmem>>
      %dma_wait3A_151 = tpu.memref_slice %arg7[%mul3A_145] : memref<5184xi32, #tpu.memory_space<vmem>> -> memref<64xi32, #tpu.memory_space<vmem>>
      %dma_wait3A_152 = arith.constant 0 : i32
      %dma_wait3A_153 = arith.constant 0 : i32
      %dma_wait3A_154 = tpu.memref_slice %arg2[%dma_wait3A_152, %dma_wait3A_153] : memref<10000x128xf32, #tpu.memory_space<hbm>> -> memref<10000x128xf32, #tpu.memory_space<hbm>>
      tpu.wait_indirect_dma semaphore(%arg13 : memref<!tpu.dma_semaphore, #tpu.memory_space<semaphore_mem>>) src(%dma_wait3A_154 : memref<10000x128xf32, #tpu.memory_space<hbm>>) dst(%dma_wait3A_150 : memref<64x128xf32, #tpu.memory_space<vmem>>)
      %dma_start3A_155 = arith.constant 2 : i32
      %dma_start3A_156 = arith.constant 0 : i32
      %dma_start3A_157 = arith.constant 0 : i32
      %dma_start3A_158 = tpu.memref_slice %arg9[%dma_start3A_155, %dma_start3A_156, %dma_start3A_157] : memref<3x64x128xf32, #tpu.memory_space<vmem>> -> memref<1x64x128xf32, #tpu.memory_space<vmem>>
      %dma_start3A_159 = tpu.memref_squeeze %dma_start3A_158 : memref<1x64x128xf32, #tpu.memory_space<vmem>> -> memref<64x128xf32, #tpu.memory_space<vmem>>
      %dma_start3A_160 = arith.constant 0 : i32
      %dma_start3A_161 = tpu.memref_slice %arg8[%add3A_143, %dma_start3A_160] : memref<81x64xi32, #tpu.memory_space<vmem>> -> memref<1x64xi32, #tpu.memory_space<vmem>>
      %dma_start3A_162 = tpu.memref_squeeze %dma_start3A_161 : memref<1x64xi32, #tpu.memory_space<vmem>> -> memref<64xi32, #tpu.memory_space<vmem>>
      %dma_start3A_163 = arith.constant 0 : i32
      %dma_start3A_164 = arith.constant 0 : i32
      %dma_start3A_165 = tpu.memref_slice %arg10[%dma_start3A_163, %dma_start3A_164] : memref<10240x128xf32, #tpu.memory_space<vmem_shared>> -> memref<10240x128xf32, #tpu.memory_space<vmem_shared>>
      tpu.enqueue_indirect_dma source(%dma_start3A_159 : memref<64x128xf32, #tpu.memory_space<vmem>>) target(%dma_start3A_165 : memref<10240x128xf32, #tpu.memory_space<vmem_shared>>) offsets(%dma_start3A_162 : memref<64xi32, #tpu.memory_space<vmem>>) semaphore(%arg16 : memref<!tpu.dma_semaphore, #tpu.memory_space<semaphore_mem>>) {add = true}
      %add3A_166 = arith.constant 2 : i32
      %add3A_167 = arith.addi %add3A_143, %add3A_166 : i32
      %lt3A_168 = arith.constant 81 : i32
      %lt3A_169 = arith.cmpi slt, %add3A_167, %lt3A_168 : i32
      %convert_element_type3A_170 = arith.extui %lt3A_169 : i1 to i32
      %cond3A_171 = arith.constant 0 : i32
      %cond3A_172 = arith.cmpi ne, %convert_element_type3A_170, %cond3A_171 : i32
      scf.if %cond3A_172 {
        %ge3A = arith.constant 3 : i32
        %ge3A_174 = arith.cmpi sge, %add3A_167, %ge3A : i32
        %convert_element_type3A_175 = arith.extui %ge3A_174 : i1 to i32
        %cond3A_176 = arith.constant 0 : i32
        %cond3A_177 = arith.cmpi ne, %convert_element_type3A_175, %cond3A_176 : i32
        scf.if %cond3A_177 {
          %dma_wait3A_189 = arith.constant 1 : i32
          %dma_wait3A_190 = arith.constant 0 : i32
          %dma_wait3A_191 = arith.constant 0 : i32
          %dma_wait3A_192 = tpu.memref_slice %arg9[%dma_wait3A_189, %dma_wait3A_190, %dma_wait3A_191] : memref<3x64x128xf32, #tpu.memory_space<vmem>> -> memref<1x64x128xf32, #tpu.memory_space<vmem>>
          %dma_wait3A_193 = tpu.memref_squeeze %dma_wait3A_192 : memref<1x64x128xf32, #tpu.memory_space<vmem>> -> memref<64x128xf32, #tpu.memory_space<vmem>>
          %dma_wait3A_194 = arith.constant 0 : i32
          %dma_wait3A_195 = tpu.memref_slice %arg8[%add3A_143, %dma_wait3A_194] : memref<81x64xi32, #tpu.memory_space<vmem>> -> memref<1x64xi32, #tpu.memory_space<vmem>>
          %dma_wait3A_196 = tpu.memref_squeeze %dma_wait3A_195 : memref<1x64xi32, #tpu.memory_space<vmem>> -> memref<64xi32, #tpu.memory_space<vmem>>
          %dma_wait3A_197 = arith.constant 0 : i32
          %dma_wait3A_198 = arith.constant 0 : i32
          %dma_wait3A_199 = tpu.memref_slice %arg10[%dma_wait3A_197, %dma_wait3A_198] : memref<10240x128xf32, #tpu.memory_space<vmem_shared>> -> memref<10240x128xf32, #tpu.memory_space<vmem_shared>>
          tpu.wait_indirect_dma semaphore(%arg15 : memref<!tpu.dma_semaphore, #tpu.memory_space<semaphore_mem>>) src(%dma_wait3A_193 : memref<64x128xf32, #tpu.memory_space<vmem>>) dst(%dma_wait3A_199 : memref<10240x128xf32, #tpu.memory_space<vmem_shared>>)
        } else {
        }
        %mul3A_178 = arith.constant 64 : i32
        %mul3A_179 = arith.muli %add3A_167, %mul3A_178 : i32
        %dma_start3A_180 = arith.constant 1 : i32
        %dma_start3A_181 = arith.constant 0 : i32
        %dma_start3A_182 = arith.constant 0 : i32
        %dma_start3A_183 = tpu.memref_slice %arg9[%dma_start3A_180, %dma_start3A_181, %dma_start3A_182] : memref<3x64x128xf32, #tpu.memory_space<vmem>> -> memref<1x64x128xf32, #tpu.memory_space<vmem>>
        %dma_start3A_184 = tpu.memref_squeeze %dma_start3A_183 : memref<1x64x128xf32, #tpu.memory_space<vmem>> -> memref<64x128xf32, #tpu.memory_space<vmem>>
        %dma_start3A_185 = tpu.memref_slice %arg7[%mul3A_179] : memref<5184xi32, #tpu.memory_space<vmem>> -> memref<64xi32, #tpu.memory_space<vmem>>
        %dma_start3A_186 = arith.constant 0 : i32
        %dma_start3A_187 = arith.constant 0 : i32
        %dma_start3A_188 = tpu.memref_slice %arg2[%dma_start3A_186, %dma_start3A_187] : memref<10000x128xf32, #tpu.memory_space<hbm>> -> memref<10000x128xf32, #tpu.memory_space<hbm>>
        tpu.enqueue_indirect_dma source(%dma_start3A_188 : memref<10000x128xf32, #tpu.memory_space<hbm>>) target(%dma_start3A_184 : memref<64x128xf32, #tpu.memory_space<vmem>>) offsets(%dma_start3A_185 : memref<64xi32, #tpu.memory_space<vmem>>) semaphore(%arg12 : memref<!tpu.dma_semaphore, #tpu.memory_space<semaphore_mem>>)
      } else {
      }
      %scan3A_173 = arith.constant 0 : i32
      scf.yield %scan3A_173 : i32
    }
    %scan3A_31 = arith.constant 27 : i32
    %dma_wait3A = arith.constant 0 : i32
    %dma_wait3A_32 = arith.constant 0 : i32
    %dma_wait3A_33 = arith.constant 0 : i32
    %dma_wait3A_34 = arith.constant 0 : i32
    %dma_wait3A_35 = tpu.memref_slice %arg9[%dma_wait3A, %dma_wait3A_33, %dma_wait3A_34] : memref<3x64x128xf32, #tpu.memory_space<vmem>> -> memref<1x64x128xf32, #tpu.memory_space<vmem>>
    %dma_wait3A_36 = tpu.memref_squeeze %dma_wait3A_35 : memref<1x64x128xf32, #tpu.memory_space<vmem>> -> memref<64x128xf32, #tpu.memory_space<vmem>>
    %dma_wait3A_37 = arith.constant 0 : i32
    %dma_wait3A_38 = tpu.memref_slice %arg8[%dma_wait3A_32, %dma_wait3A_37] : memref<81x64xi32, #tpu.memory_space<vmem>> -> memref<1x64xi32, #tpu.memory_space<vmem>>
    %dma_wait3A_39 = tpu.memref_squeeze %dma_wait3A_38 : memref<1x64xi32, #tpu.memory_space<vmem>> -> memref<64xi32, #tpu.memory_space<vmem>>
    %dma_wait3A_40 = arith.constant 0 : i32
    %dma_wait3A_41 = arith.constant 0 : i32
    %dma_wait3A_42 = tpu.memref_slice %arg10[%dma_wait3A_40, %dma_wait3A_41] : memref<10240x128xf32, #tpu.memory_space<vmem_shared>> -> memref<10240x128xf32, #tpu.memory_space<vmem_shared>>
    tpu.wait_indirect_dma semaphore(%arg14 : memref<!tpu.dma_semaphore, #tpu.memory_space<semaphore_mem>>) src(%dma_wait3A_36 : memref<64x128xf32, #tpu.memory_space<vmem>>) dst(%dma_wait3A_42 : memref<10240x128xf32, #tpu.memory_space<vmem_shared>>)
    %dma_wait3A_43 = arith.constant 1 : i32
    %dma_wait3A_44 = arith.constant 0 : i32
    %dma_wait3A_45 = arith.constant 0 : i32
    %dma_wait3A_46 = arith.constant 0 : i32
    %dma_wait3A_47 = tpu.memref_slice %arg9[%dma_wait3A_43, %dma_wait3A_45, %dma_wait3A_46] : memref<3x64x128xf32, #tpu.memory_space<vmem>> -> memref<1x64x128xf32, #tpu.memory_space<vmem>>
    %dma_wait3A_48 = tpu.memref_squeeze %dma_wait3A_47 : memref<1x64x128xf32, #tpu.memory_space<vmem>> -> memref<64x128xf32, #tpu.memory_space<vmem>>
    %dma_wait3A_49 = arith.constant 0 : i32
    %dma_wait3A_50 = tpu.memref_slice %arg8[%dma_wait3A_44, %dma_wait3A_49] : memref<81x64xi32, #tpu.memory_space<vmem>> -> memref<1x64xi32, #tpu.memory_space<vmem>>
    %dma_wait3A_51 = tpu.memref_squeeze %dma_wait3A_50 : memref<1x64xi32, #tpu.memory_space<vmem>> -> memref<64xi32, #tpu.memory_space<vmem>>
    %dma_wait3A_52 = arith.constant 0 : i32
    %dma_wait3A_53 = arith.constant 0 : i32
    %dma_wait3A_54 = tpu.memref_slice %arg10[%dma_wait3A_52, %dma_wait3A_53] : memref<10240x128xf32, #tpu.memory_space<vmem_shared>> -> memref<10240x128xf32, #tpu.memory_space<vmem_shared>>
    tpu.wait_indirect_dma semaphore(%arg15 : memref<!tpu.dma_semaphore, #tpu.memory_space<semaphore_mem>>) src(%dma_wait3A_48 : memref<64x128xf32, #tpu.memory_space<vmem>>) dst(%dma_wait3A_54 : memref<10240x128xf32, #tpu.memory_space<vmem_shared>>)
    %dma_wait3A_55 = arith.constant 2 : i32
    %dma_wait3A_56 = arith.constant 0 : i32
    %dma_wait3A_57 = arith.constant 0 : i32
    %dma_wait3A_58 = arith.constant 0 : i32
    %dma_wait3A_59 = tpu.memref_slice %arg9[%dma_wait3A_55, %dma_wait3A_57, %dma_wait3A_58] : memref<3x64x128xf32, #tpu.memory_space<vmem>> -> memref<1x64x128xf32, #tpu.memory_space<vmem>>
    %dma_wait3A_60 = tpu.memref_squeeze %dma_wait3A_59 : memref<1x64x128xf32, #tpu.memory_space<vmem>> -> memref<64x128xf32, #tpu.memory_space<vmem>>
    %dma_wait3A_61 = arith.constant 0 : i32
    %dma_wait3A_62 = tpu.memref_slice %arg8[%dma_wait3A_56, %dma_wait3A_61] : memref<81x64xi32, #tpu.memory_space<vmem>> -> memref<1x64xi32, #tpu.memory_space<vmem>>
    %dma_wait3A_63 = tpu.memref_squeeze %dma_wait3A_62 : memref<1x64xi32, #tpu.memory_space<vmem>> -> memref<64xi32, #tpu.memory_space<vmem>>
    %dma_wait3A_64 = arith.constant 0 : i32
    %dma_wait3A_65 = arith.constant 0 : i32
    %dma_wait3A_66 = tpu.memref_slice %arg10[%dma_wait3A_64, %dma_wait3A_65] : memref<10240x128xf32, #tpu.memory_space<vmem_shared>> -> memref<10240x128xf32, #tpu.memory_space<vmem_shared>>
    tpu.wait_indirect_dma semaphore(%arg16 : memref<!tpu.dma_semaphore, #tpu.memory_space<semaphore_mem>>) src(%dma_wait3A_60 : memref<64x128xf32, #tpu.memory_space<vmem>>) dst(%dma_wait3A_66 : memref<10240x128xf32, #tpu.memory_space<vmem_shared>>)
    %barrier3A_67 = arith.constant 0 : index
    tpu.barrier barrier_id(%barrier3A_67)
    %mul3A_68 = arith.constant 640 : i32
    %mul3A_69 = arith.muli %arg1, %mul3A_68 : i32
    %mul3A_70 = arith.constant 10240 : i32
    %mul3A_71 = arith.muli %arg0, %mul3A_70 : i32
    %mul3A_72 = arith.constant 640 : i32
    %mul3A_73 = arith.muli %arg1, %mul3A_72 : i32
    %add3A_74 = arith.addi %mul3A_71, %mul3A_73 : i32
    "tpu.region"() ({
      %run_scoped3A = tpu.sem_alloc : memref<!tpu.dma_semaphore, #tpu.memory_space<semaphore_mem>>
      %dma_start3A_75 = arith.constant 0 : i32
      %dma_start3A_76 = tpu.memref_slice %arg6[%add3A_74, %dma_start3A_75] : memref<20480x128xf32, #tpu.memory_space<hbm>> -> memref<640x128xf32, #tpu.memory_space<hbm>>
      %dma_start3A_77 = arith.constant 0 : i32
      %dma_start3A_78 = tpu.memref_slice %arg10[%mul3A_69, %dma_start3A_77] : memref<10240x128xf32, #tpu.memory_space<vmem_shared>> -> memref<640x128xf32, #tpu.memory_space<vmem_shared>>
      tpu.enqueue_dma source(%dma_start3A_78 : memref<640x128xf32, #tpu.memory_space<vmem_shared>>) target(%dma_start3A_76 : memref<640x128xf32, #tpu.memory_space<hbm>>) target_semaphore(%run_scoped3A : memref<!tpu.dma_semaphore, #tpu.memory_space<semaphore_mem>>)
      %dma_wait3A_79 = arith.constant 0 : i32
      %dma_wait3A_80 = tpu.memref_slice %arg6[%add3A_74, %dma_wait3A_79] : memref<20480x128xf32, #tpu.memory_space<hbm>> -> memref<640x128xf32, #tpu.memory_space<hbm>>
      %dma_wait3A_81 = arith.constant 0 : i32
      %dma_wait3A_82 = tpu.memref_slice %arg10[%mul3A_69, %dma_wait3A_81] : memref<10240x128xf32, #tpu.memory_space<vmem_shared>> -> memref<640x128xf32, #tpu.memory_space<vmem_shared>>
      tpu.wait_dma2 semaphore(%run_scoped3A : memref<!tpu.dma_semaphore, #tpu.memory_space<semaphore_mem>>) src(%dma_wait3A_82 : memref<640x128xf32, #tpu.memory_space<vmem_shared>>) dst(%dma_wait3A_80 : memref<640x128xf32, #tpu.memory_space<hbm>>)
      tpu.yield
    }) : () -> ()
    return
  }
}

module attributes {stable_mosaic.version = 14 : i64} {
  func.func @_mm_body(%arg0: i32, %arg1: memref<1024x256xf32, #tpu.memory_space<vmem>>, %arg2: memref<256x128xf32, #tpu.memory_space<vmem>>, %arg3: memref<1024x128xf32, #tpu.memory_space<vmem>>) attributes {dimension_semantics = [#tpu.dimension_semantics<arbitrary>], iteration_bounds = array<i64: 10>, scalar_prefetch = 0 : i64, scratch_operands = 0 : i64, tpu.core_type = #tpu.core_type<tc>, window_params = [{transform_indices = @transform_0, window_bounds = array<i64: 1024, 256>}, {pipeline_mode = #tpu.pipeline_mode<synchronous>, transform_indices = @transform_1, window_bounds = array<i64: 256, 128>}, {transform_indices = @transform_2, window_bounds = array<i64: 1024, 128>}]} {
    %get3A = arith.constant 0 : index
    %get3A_0 = arith.constant 0 : index
    %get3A_1 = vector.load %arg1[%get3A, %get3A_0] : memref<1024x256xf32, #tpu.memory_space<vmem>>, vector<1024x256xf32>
    %convert_element_type3A = arith.truncf %get3A_1 : vector<1024x256xf32> to vector<1024x256xbf16>
    %get3A_2 = arith.constant 0 : index
    %get3A_3 = arith.constant 0 : index
    %get3A_4 = vector.load %arg2[%get3A_2, %get3A_3] : memref<256x128xf32, #tpu.memory_space<vmem>>, vector<256x128xf32>
    %convert_element_type3A_5 = arith.truncf %get3A_4 : vector<256x128xf32> to vector<256x128xbf16>
    %dot_general3A = arith.constant dense<0.000000e+00> : vector<1024x128xf32>
    %dot_general3A_6 = tpu.matmul %convert_element_type3A, %convert_element_type3A_5, %dot_general3A {dimension_numbers = #tpu.dot_dimension_numbers<[1], [0], [0], [1], [0, 0, 1, 1], [], []>, transpose_lhs_hint = false} : vector<1024x256xbf16>, vector<256x128xbf16>, vector<1024x128xf32> -> vector<1024x128xf32>
    %swap3A = arith.constant 0 : index
    %swap3A_7 = arith.constant 0 : index
    %swap3A_8 = vector.load %arg3[%swap3A, %swap3A_7] : memref<1024x128xf32, #tpu.memory_space<vmem>>, vector<1024x128xf32>
    tpu.vector_store %arg3[%swap3A, %swap3A_7], %dot_general3A_6 {strides = array<i32>} : memref<1024x128xf32, #tpu.memory_space<vmem>>, vector<1024x128xf32>,
    return
  }
  func.func @transform_0(%arg0: i32) -> (i32, i32) {
    %c0_i32 = arith.constant 0 : i32
    %c0_i32_0 = arith.constant 0 : i32
    return %arg0, %c0_i32 : i32, i32
  }
  func.func @transform_1(%arg0: i32) -> (i32, i32) {
    %c0_i32 = arith.constant 0 : i32
    %c0_i32_0 = arith.constant 0 : i32
    %c0_i32_1 = arith.constant 0 : i32
    return %c0_i32, %c0_i32_0 : i32, i32
  }
  func.func @transform_2(%arg0: i32) -> (i32, i32) {
    %c0_i32 = arith.constant 0 : i32
    %c0_i32_0 = arith.constant 0 : i32
    return %arg0, %c0_i32 : i32, i32
  }
}

module attributes {stable_mosaic.version = 14 : i64} {
  func.func @_split_body(%arg0: memref<2x160000xi32, #tpu.memory_space<vmem>>, %arg1: memref<160000xi32, #tpu.memory_space<vmem>>, %arg2: memref<160000xi32, #tpu.memory_space<vmem>>) attributes {dimension_semantics = [], scalar_prefetch = 0 : i64, scratch_operands = 0 : i64, tpu.core_type = #tpu.core_type<tc>} {
    %get3A = arith.constant 0 : index
    %get3A_0 = arith.constant 0 : index
    %get3A_1 = vector.load %arg0[%get3A, %get3A_0] : memref<2x160000xi32, #tpu.memory_space<vmem>>, vector<1x160000xi32>
    %get3A_2 = vector.shape_cast %get3A_1 : vector<1x160000xi32> to vector<160000xi32>
    %swap3A = arith.constant 0 : index
    %swap3A_3 = vector.load %arg1[%swap3A] : memref<160000xi32, #tpu.memory_space<vmem>>, vector<160000xi32>
    tpu.vector_store %arg1[%swap3A], %get3A_2 {strides = array<i32>} : memref<160000xi32, #tpu.memory_space<vmem>>, vector<160000xi32>,
    %get3A_4 = arith.constant 1 : index
    %get3A_5 = arith.constant 0 : index
    %get3A_6 = vector.load %arg0[%get3A_4, %get3A_5] : memref<2x160000xi32, #tpu.memory_space<vmem>>, vector<1x160000xi32>
    %get3A_7 = vector.shape_cast %get3A_6 : vector<1x160000xi32> to vector<160000xi32>
    %swap3A_8 = arith.constant 0 : index
    %swap3A_9 = vector.load %arg2[%swap3A_8] : memref<160000xi32, #tpu.memory_space<vmem>>, vector<160000xi32>
    tpu.vector_store %arg2[%swap3A_8], %get3A_7 {strides = array<i32>} : memref<160000xi32, #tpu.memory_space<vmem>>, vector<160000xi32>,
    return
  }
}

module attributes {stable_mosaic.version = 14 : i64} {
  func.func @_scale_body(%arg0: i32, %arg1: memref<1024x128xf32, #tpu.memory_space<vmem>>, %arg2: memref<20480xf32, #tpu.memory_space<vmem>>, %arg3: memref<1024x128xf32, #tpu.memory_space<vmem>>) attributes {dimension_semantics = [#tpu.dimension_semantics<arbitrary>], iteration_bounds = array<i64: 10>, scalar_prefetch = 0 : i64, scratch_operands = 0 : i64, tpu.core_type = #tpu.core_type<tc>, window_params = [{transform_indices = @transform_0, window_bounds = array<i64: 1024, 128>}, {pipeline_mode = #tpu.pipeline_mode<synchronous>, transform_indices = @transform_1, window_bounds = array<i64: 20480>}, {transform_indices = @transform_2, window_bounds = array<i64: 1024, 128>}]} {
    %mul3A = arith.constant 1024 : i32
    %mul3A_0 = arith.muli %arg0, %mul3A : i32
    %get3A = arith.index_cast %mul3A_0 : i32 to index
    %get3A_1 = vector.load %arg2[%get3A] : memref<20480xf32, #tpu.memory_space<vmem>>, vector<1024xf32>
    %add3A = arith.constant 1.000000e+00 : f32
    %add3A_2 = vector.broadcast %add3A : f32 to vector<1024xf32>
    %add3A_3 = arith.addf %add3A_2, %get3A_1 : vector<1024xf32>
    %mul3A_4 = arith.constant 1024 : i32
    %mul3A_5 = arith.muli %arg0, %mul3A_4 : i32
    %add3A_6 = arith.constant 10240 : i32
    %add3A_7 = arith.addi %add3A_6, %mul3A_5 : i32
    %get3A_8 = arith.index_cast %add3A_7 : i32 to index
    %get3A_9 = vector.load %arg2[%get3A_8] : memref<20480xf32, #tpu.memory_space<vmem>>, vector<1024xf32>
    %add3A_10 = arith.addf %add3A_3, %get3A_9 : vector<1024xf32>
    %rsqrt3A = math.rsqrt %add3A_10 : vector<1024xf32>
    %get3A_11 = arith.constant 0 : index
    %get3A_12 = arith.constant 0 : index
    %get3A_13 = vector.load %arg1[%get3A_11, %get3A_12] : memref<1024x128xf32, #tpu.memory_space<vmem>>, vector<1024x128xf32>
    %broadcast_in_dim3A = vector.shape_cast %rsqrt3A : vector<1024xf32> to vector<1024x1xf32>
    %mul3A_14 = vector.broadcast %broadcast_in_dim3A : vector<1024x1xf32> to vector<1024x128xf32>
    %mul3A_15 = arith.mulf %get3A_13, %mul3A_14 : vector<1024x128xf32>
    %swap3A = arith.constant 0 : index
    %swap3A_16 = arith.constant 0 : index
    %swap3A_17 = vector.load %arg3[%swap3A, %swap3A_16] : memref<1024x128xf32, #tpu.memory_space<vmem>>, vector<1024x128xf32>
    tpu.vector_store %arg3[%swap3A, %swap3A_16], %mul3A_15 {strides = array<i32>} : memref<1024x128xf32, #tpu.memory_space<vmem>>, vector<1024x128xf32>,
    return
  }
  func.func @transform_0(%arg0: i32) -> (i32, i32) {
    %c0_i32 = arith.constant 0 : i32
    %c0_i32_0 = arith.constant 0 : i32
    return %arg0, %c0_i32 : i32, i32
  }
  func.func @transform_1(%arg0: i32) -> i32 {
    %c0_i32 = arith.constant 0 : i32
    %c0_i32_0 = arith.constant 0 : i32
    return %c0_i32 : i32
  }
  func.func @transform_2(%arg0: i32) -> (i32, i32) {
    %c0_i32 = arith.constant 0 : i32
    %c0_i32_0 = arith.constant 0 : i32
    return %arg0, %c0_i32 : i32, i32
  }
}

module attributes {stable_mosaic.version = 14 : i64} {
  func.func @_tail_body(%arg0: i32, %arg1: memref<1024x128xf32, #tpu.memory_space<vmem>>, %arg2: memref<1024x128xf32, #tpu.memory_space<vmem>>, %arg3: memref<1024x128xf32, #tpu.memory_space<vmem>>, %arg4: memref<20480xf32, #tpu.memory_space<vmem>>, %arg5: memref<128xf32, #tpu.memory_space<vmem>>, %arg6: memref<128x64xf32, #tpu.memory_space<vmem>>, %arg7: memref<64xf32, #tpu.memory_space<vmem>>, %arg8: memref<64x64xf32, #tpu.memory_space<vmem>>, %arg9: memref<64xf32, #tpu.memory_space<vmem>>, %arg10: memref<64x1024xf32, #tpu.memory_space<vmem>>) attributes {dimension_semantics = [#tpu.dimension_semantics<arbitrary>], iteration_bounds = array<i64: 10>, scalar_prefetch = 0 : i64, scratch_operands = 0 : i64, tpu.core_type = #tpu.core_type<tc>, window_params = [{transform_indices = @transform_0, window_bounds = array<i64: 1024, 128>}, {transform_indices = @transform_1, window_bounds = array<i64: 1024, 128>}, {transform_indices = @transform_2, window_bounds = array<i64: 1024, 128>}, {pipeline_mode = #tpu.pipeline_mode<synchronous>, transform_indices = @transform_3, window_bounds = array<i64: 20480>}, {pipeline_mode = #tpu.pipeline_mode<synchronous>, transform_indices = @transform_4, window_bounds = array<i64: 128>}, {pipeline_mode = #tpu.pipeline_mode<synchronous>, transform_indices = @transform_5, window_bounds = array<i64: 128, 64>}, {pipeline_mode = #tpu.pipeline_mode<synchronous>, transform_indices = @transform_6, window_bounds = array<i64: 64>}, {pipeline_mode = #tpu.pipeline_mode<synchronous>, transform_indices = @transform_7, window_bounds = array<i64: 64, 64>}, {pipeline_mode = #tpu.pipeline_mode<synchronous>, transform_indices = @transform_8, window_bounds = array<i64: 64>}, {transform_indices = @transform_9, window_bounds = array<i64: 64, 1024>}]} {
    %mul3A = arith.constant 1024 : i32
    %mul3A_0 = arith.muli %arg0, %mul3A : i32
    %get3A = arith.index_cast %mul3A_0 : i32 to index
    %get3A_1 = vector.load %arg4[%get3A] : memref<20480xf32, #tpu.memory_space<vmem>>, vector<1024xf32>
    %add3A = arith.constant 1.000000e+00 : f32
    %add3A_2 = vector.broadcast %add3A : f32 to vector<1024xf32>
    %add3A_3 = arith.addf %add3A_2, %get3A_1 : vector<1024xf32>
    %mul3A_4 = arith.constant 1024 : i32
    %mul3A_5 = arith.muli %arg0, %mul3A_4 : i32
    %add3A_6 = arith.constant 10240 : i32
    %add3A_7 = arith.addi %add3A_6, %mul3A_5 : i32
    %get3A_8 = arith.index_cast %add3A_7 : i32 to index
    %get3A_9 = vector.load %arg4[%get3A_8] : memref<20480xf32, #tpu.memory_space<vmem>>, vector<1024xf32>
    %add3A_10 = arith.addf %add3A_3, %get3A_9 : vector<1024xf32>
    %rsqrt3A = math.rsqrt %add3A_10 : vector<1024xf32>
    %get3A_11 = arith.constant 0 : index
    %get3A_12 = arith.constant 0 : index
    %get3A_13 = vector.load %arg1[%get3A_11, %get3A_12] : memref<1024x128xf32, #tpu.memory_space<vmem>>, vector<1024x128xf32>
    %get3A_14 = arith.constant 0 : index
    %get3A_15 = arith.constant 0 : index
    %get3A_16 = vector.load %arg2[%get3A_14, %get3A_15] : memref<1024x128xf32, #tpu.memory_space<vmem>>, vector<1024x128xf32>
    %add3A_17 = arith.addf %get3A_13, %get3A_16 : vector<1024x128xf32>
    %get3A_18 = arith.constant 0 : index
    %get3A_19 = arith.constant 0 : index
    %get3A_20 = vector.load %arg3[%get3A_18, %get3A_19] : memref<1024x128xf32, #tpu.memory_space<vmem>>, vector<1024x128xf32>
    %add3A_21 = arith.addf %add3A_17, %get3A_20 : vector<1024x128xf32>
    %broadcast_in_dim3A = vector.shape_cast %rsqrt3A : vector<1024xf32> to vector<1024x1xf32>
    %mul3A_22 = vector.broadcast %broadcast_in_dim3A : vector<1024x1xf32> to vector<1024x128xf32>
    %mul3A_23 = arith.mulf %add3A_21, %mul3A_22 : vector<1024x128xf32>
    %get3A_24 = arith.constant 0 : index
    %get3A_25 = vector.load %arg5[%get3A_24] : memref<128xf32, #tpu.memory_space<vmem>>, vector<128xf32>
    %broadcast_in_dim3A_26 = vector.shape_cast %get3A_25 : vector<128xf32> to vector<1x128xf32>
    %add3A_27 = vector.broadcast %broadcast_in_dim3A_26 : vector<1x128xf32> to vector<1024x128xf32>
    %add3A_28 = arith.addf %mul3A_23, %add3A_27 : vector<1024x128xf32>
    %ge3A = arith.constant 0.000000e+00 : f32
    %ge3A_29 = vector.broadcast %ge3A : f32 to vector<1024x128xf32>
    %ge3A_30 = arith.cmpf oge, %add3A_28, %ge3A_29 : vector<1024x128xf32>
    %mul3A_31 = arith.constant 0.00999999977 : f32
    %mul3A_32 = vector.broadcast %mul3A_31 : f32 to vector<1024x128xf32>
    %mul3A_33 = arith.mulf %mul3A_32, %add3A_28 : vector<1024x128xf32>
    %select_n3A = arith.select %ge3A_30, %add3A_28, %mul3A_33 : vector<1024x128xi1>, vector<1024x128xf32>
    %get3A_34 = arith.constant 0 : index
    %get3A_35 = arith.constant 0 : index
    %get3A_36 = vector.load %arg6[%get3A_34, %get3A_35] : memref<128x64xf32, #tpu.memory_space<vmem>>, vector<128x64xf32>
    %dot_general3A = arith.constant dense<0.000000e+00> : vector<1024x64xf32>
    %dot_general3A_37 = tpu.matmul %select_n3A, %get3A_36, %dot_general3A {dimension_numbers = #tpu.dot_dimension_numbers<[1], [0], [0], [1], [0, 0, 1, 1], [], []>, transpose_lhs_hint = false} : vector<1024x128xf32>, vector<128x64xf32>, vector<1024x64xf32> -> vector<1024x64xf32>
    %get3A_38 = arith.constant 0 : index
    %get3A_39 = vector.load %arg7[%get3A_38] : memref<64xf32, #tpu.memory_space<vmem>>, vector<64xf32>
    %broadcast_in_dim3A_40 = vector.shape_cast %get3A_39 : vector<64xf32> to vector<1x64xf32>
    %add3A_41 = vector.broadcast %broadcast_in_dim3A_40 : vector<1x64xf32> to vector<1024x64xf32>
    %add3A_42 = arith.addf %dot_general3A_37, %add3A_41 : vector<1024x64xf32>
    %ge3A_43 = arith.constant 0.000000e+00 : f32
    %ge3A_44 = vector.broadcast %ge3A_43 : f32 to vector<1024x64xf32>
    %ge3A_45 = arith.cmpf oge, %add3A_42, %ge3A_44 : vector<1024x64xf32>
    %mul3A_46 = arith.constant 0.00999999977 : f32
    %mul3A_47 = vector.broadcast %mul3A_46 : f32 to vector<1024x64xf32>
    %mul3A_48 = arith.mulf %mul3A_47, %add3A_42 : vector<1024x64xf32>
    %select_n3A_49 = arith.select %ge3A_45, %add3A_42, %mul3A_48 : vector<1024x64xi1>, vector<1024x64xf32>
    %get3A_50 = arith.constant 0 : index
    %get3A_51 = arith.constant 0 : index
    %get3A_52 = vector.load %arg8[%get3A_50, %get3A_51] : memref<64x64xf32, #tpu.memory_space<vmem>>, vector<64x64xf32>
    %dot_general3A_53 = arith.constant dense<0.000000e+00> : vector<1024x64xf32>
    %dot_general3A_54 = tpu.matmul %select_n3A_49, %get3A_52, %dot_general3A_53 {dimension_numbers = #tpu.dot_dimension_numbers<[1], [0], [0], [1], [0, 0, 1, 1], [], []>, transpose_lhs_hint = false} : vector<1024x64xf32>, vector<64x64xf32>, vector<1024x64xf32> -> vector<1024x64xf32>
    %get3A_55 = arith.constant 0 : index
    %get3A_56 = vector.load %arg9[%get3A_55] : memref<64xf32, #tpu.memory_space<vmem>>, vector<64xf32>
    %broadcast_in_dim3A_57 = vector.shape_cast %get3A_56 : vector<64xf32> to vector<1x64xf32>
    %add3A_58 = vector.broadcast %broadcast_in_dim3A_57 : vector<1x64xf32> to vector<1024x64xf32>
    %add3A_59 = arith.addf %dot_general3A_54, %add3A_58 : vector<1024x64xf32>
    %transpose3A = tpu.transpose %add3A_59, [1, 0] : vector<1024x64xf32> -> vector<64x1024xf32>
    %swap3A = arith.constant 0 : index
    %swap3A_60 = arith.constant 0 : index
    %swap3A_61 = vector.load %arg10[%swap3A, %swap3A_60] : memref<64x1024xf32, #tpu.memory_space<vmem>>, vector<64x1024xf32>
    tpu.vector_store %arg10[%swap3A, %swap3A_60], %transpose3A {strides = array<i32>} : memref<64x1024xf32, #tpu.memory_space<vmem>>, vector<64x1024xf32>,
    return
  }
  func.func @transform_0(%arg0: i32) -> (i32, i32) {
    %c0_i32 = arith.constant 0 : i32
    %c0_i32_0 = arith.constant 0 : i32
    return %arg0, %c0_i32 : i32, i32
  }
  func.func @transform_1(%arg0: i32) -> (i32, i32) {
    %add3A = arith.constant 10 : i32
    %add3A_0 = arith.addi %add3A, %arg0 : i32
    %c0_i32 = arith.constant 0 : i32
    %c0_i32_1 = arith.constant 0 : i32
    return %add3A_0, %c0_i32 : i32, i32
  }
  func.func @transform_2(%arg0: i32) -> (i32, i32) {
    %c0_i32 = arith.constant 0 : i32
    %c0_i32_0 = arith.constant 0 : i32
    return %arg0, %c0_i32 : i32, i32
  }
  func.func @transform_3(%arg0: i32) -> i32 {
    %c0_i32 = arith.constant 0 : i32
    %c0_i32_0 = arith.constant 0 : i32
    return %c0_i32 : i32
  }
  func.func @transform_4(%arg0: i32) -> i32 {
    %c0_i32 = arith.constant 0 : i32
    %c0_i32_0 = arith.constant 0 : i32
    return %c0_i32 : i32
  }
  func.func @transform_5(%arg0: i32) -> (i32, i32) {
    %c0_i32 = arith.constant 0 : i32
    %c0_i32_0 = arith.constant 0 : i32
    %c0_i32_1 = arith.constant 0 : i32
    return %c0_i32, %c0_i32_0 : i32, i32
  }
  func.func @transform_6(%arg0: i32) -> i32 {
    %c0_i32 = arith.constant 0 : i32
    %c0_i32_0 = arith.constant 0 : i32
    return %c0_i32 : i32
  }
  func.func @transform_7(%arg0: i32) -> (i32, i32) {
    %c0_i32 = arith.constant 0 : i32
    %c0_i32_0 = arith.constant 0 : i32
    %c0_i32_1 = arith.constant 0 : i32
    return %c0_i32, %c0_i32_0 : i32, i32
  }
  func.func @transform_8(%arg0: i32) -> i32 {
    %c0_i32 = arith.constant 0 : i32
    %c0_i32_0 = arith.constant 0 : i32
    return %c0_i32 : i32
  }
  func.func @transform_9(%arg0: i32) -> (i32, i32) {
    %c0_i32 = arith.constant 0 : i32
    %c0_i32_0 = arith.constant 0 : i32
    return %c0_i32, %arg0 : i32, i32
  }
}

</mosaic_0001>

<sc_bundles>
// kernel: kernel.11.cloned.1.call-start
scs
__scs_entry_jumppad:
0x0: {  	(pc) =	sbr.rel $0x88, $3  }
0x1: {  	(tag) =	ssettag $0x0;
	lr =	simm.s32 $0x1  }
0x2: {  	[smem:$0x3F99] =	sst lr;
	_ =	strace $0xD0000000  }
0x3: {  	_ = 	snop  }
0x4: {  	_ = 	snop  }
0x5: {  	_ = 	snop  }
0x6: {  	_ = 	snop  }
0x7: {  	_ = 	snop  }
__scs_overlays_trampoline_lowered:
0x8: {  	[smem:$0x3FA8] =	sst s0  }
0x9: {  	[smem:$0x3FA9] =	sst s1  }
0xa: {  	[smem:$0x3FAA] =	sst s2  }
0xb: {  	[smem:$0x3FAB] =	sst s3  }
0xc: {  	[smem:$0x3FAC] =	sst s4  }
0xd: {  	[smem:$0x3FAD] =	sst s5  }
0xe: {  	[smem:$0x3FAE] =	sst s6  }
0xf: {  	[smem:$0x3FAF] =	sst s7  }
0x10: {  	[smem:$0x3FB0] =	sst s8  }
0x11: {  	[smem:$0x3FB1] =	sst s9;
	s0 =	simm.s32 @!p0 $0x0  }
0x12: {  	s1 =	sld [smem:$0x3F97];
	s0 =	simm.s32 @p0 $0x1  }
0x13: {  	[smem:$0x3FB2] =	sst s0;
	s0 =	simm.s32 @!p1 $0x0  }
0x14: {  	s2 =	sld [smem:$0x3F96];
	s0 =	simm.s32 @p1 $0x1  }
0x15: {  	[smem:$0x3FB3] =	sst s0;
	s0 =	simm.s32 @!p2 $0x0  }
0x16: {  	s3 =	sld [smem:$0x3FDB];
	s0 =	simm.s32 @p2 $0x1  }
0x17: {  	s4 =	simm.s32 $0x1BF5;
	[smem:$0x3FB5] =	sst s0  }
0x18: {  	s0 =	sld [smem:$0x3F98];
	_ =	swait.ge [sflag:s4], $0x0  }
0x19: {  	s7 =	sld [smem:$0x3F99]  }
0x1a: {  	s8 =	sadd.s32 $0xFFFFE003, lr  }
0x1b: {  	s9 =	sadd.s32 $0xFFFFFEF7, lr;
	s5 =	simm.s32 $0xFFFFFFFF;
	p2 =	slt.u32 s8, $0xFFFFF086  }
0x1c: {  	p1 =	slt.u32 s9, $0xF7A;
	s5 =	simm.s32 @!p2 $0x0  }
0x1d: {  	s5 =	simm.s32 @p1 $0x1;
	p0 =	seq.s32 s7, s2  }
0x1e: {  	s7 =	smul.u32 @!p0 $0xF7A, s2;
	p2 =	seq.s32 @!p0 s5, $0x0  }
0x1f: {  	s9 =	smul.u32 $0xF7A, s1;
	s8 =	simm.s32 @!p0 $0x1BF5;
	p2 =	por !p2, p0  }
0x20: {  	[sflag:s8] =	ssyncset.s32 @!p0 $0xFFFFF086;
	s6 =	sadd.s32 @!p0 s3, s7;
	s7 =	simm.s32 @!p0 $0x108  }
0x21: {  	s3 =	sadd.s32 s3, s9;
	s6 =	sadd.s32 @!p0 $0x88, s6;
	s7 =	simm.s32 @p2 $0x1082  }
0x22: {  	[simem:s7], [sflag:s8] =	dma.local @!p0 [hbm:s6], $0xF7A  }
0x23: {  	s9 =	sor.u32 $0xD0000000, s2;
	s6 =	simm.s32 $0x108;
	_ =	swait.ge @!p0 [sflag:s8], $0x0  }
0x24: {  	s3 =	sadd.s32 $0x88, s3;
	s6 =	simm.s32 @!p1 $0x1082;
	[sflag:s4] =	ssyncset.s32 $0xFFFFF086  }
0x25: {  	[simem:s6], [sflag:s4] =	dma.local [hbm:s3], $0xF7A  }
0x26: {  	[smem:$0x3F99] =	sst s1;
	(tag) =	ssettag s2;
	_ =	strace s9  }
0x27: {  	s1 =	sld [smem:$0x3FA9]  }
0x28: {  	s2 =	sld [smem:$0x3FAA]  }
0x29: {  	s4 =	sld [smem:$0x3FAC]  }
0x2a: {  	p0 =	seq.s32 s5, $0x0;
	s5 =	sld [smem:$0x3FAD]  }
0x2b: {  	s6 =	sld [smem:$0x3FAE]  }
0x2c: {  	s7 =	sld [smem:$0x3FAF]  }
0x2d: {  	s3 =	simm.s32 $0x108;
	s8 =	sld [smem:$0x3FB0]  }
0x2e: {  	s3 =	simm.s32 @!p0 $0x1082;
	s9 =	sld [smem:$0x3FB1]  }
0x2f: {  	lr =	sadd.s32 s0, s3;
	s0 =	sld [smem:$0x3FA8]  }
0x30: {  	s3 =	sld [smem:$0x3FAB]  }
0x31: {  	[smem:$0x3FB4] =	sst s10  }
0x32: {  	s10 =	sld [smem:$0x3FB2];
	_ =	sdelay $0x3  }
0x33: {  	p0 =	seq.s32 s10, $0x1;
	s10 =	sld [smem:$0x3FB4];
	_ =	sdelay $0x3  }
0x34: {  	[smem:$0x3FB4] =	sst s10  }
0x35: {  	s10 =	sld [smem:$0x3FB3];
	_ =	sdelay $0x3  }
0x36: {  	p1 =	seq.s32 s10, $0x1;
	s10 =	sld [smem:$0x3FB4];
	_ =	sdelay $0x3  }
0x37: {  	[smem:$0x3FB4] =	sst s10  }
0x38: {  	s10 =	sld [smem:$0x3FB5]  }
0x39: {  	_ = 	snop;
	(pc) =	sbr.ind lr, $3  }
0x3a: {  	_ = 	snop  }
0x3b: {  	_ = 	snop  }
0x3c: {  	p2 =	seq.s32 s10, $0x1;
	s10 =	sld [smem:$0x3FB4]  }
0x3d: {  	_ =	shalt  }
0x3e: {  	_ =	shalt  }
0x3f: {  	_ =	shalt  }
0x40: {  	_ =	shalt  }
0x41: {  	_ =	shalt  }
0x42: {  	_ =	shalt  }
0x43: {  	_ =	shalt  }
0x44: {  	_ =	shalt  }
0x45: {  	_ =	shalt  }
0x46: {  	_ =	shalt  }
0x47: {  	_ =	shalt  }
0x48: {  	_ =	shalt  }
0x49: {  	_ =	shalt  }
0x4a: {  	_ =	shalt  }
0x4b: {  	_ =	shalt  }
0x4c: {  	_ =	shalt  }
0x4d: {  	_ =	shalt  }
0x4e: {  	_ =	shalt  }
0x4f: {  	_ =	shalt  }
0x50: {  	_ =	shalt  }
0x51: {  	_ =	shalt  }
0x52: {  	_ =	shalt  }
0x53: {  	_ =	shalt  }
0x54: {  	_ =	shalt  }
0x55: {  	_ =	shalt  }
0x56: {  	_ =	shalt  }
0x57: {  	_ =	shalt  }
0x58: {  	_ =	shalt  }
0x59: {  	_ =	shalt  }
0x5a: {  	_ =	shalt  }
0x5b: {  	_ =	shalt  }
0x5c: {  	_ =	shalt  }
0x5d: {  	_ =	shalt  }
0x5e: {  	_ =	shalt  }
0x5f: {  	_ =	shalt  }
0x60: {  	_ =	shalt  }
0x61: {  	_ =	shalt  }
0x62: {  	_ =	shalt  }
0x63: {  	_ =	shalt  }
0x64: {  	_ =	shalt  }
0x65: {  	_ =	shalt  }
0x66: {  	_ =	shalt  }
0x67: {  	_ =	shalt  }
0x68: {  	_ =	shalt  }
0x69: {  	_ =	shalt  }
0x6a: {  	_ =	shalt  }
0x6b: {  	_ =	shalt  }
0x6c: {  	_ =	shalt  }
0x6d: {  	_ =	shalt  }
0x6e: {  	_ =	shalt  }
0x6f: {  	_ =	shalt  }
0x70: {  	_ =	shalt  }
0x71: {  	_ =	shalt  }
0x72: {  	_ =	shalt  }
0x73: {  	_ =	shalt  }
0x74: {  	_ =	shalt  }
0x75: {  	_ =	shalt  }
0x76: {  	_ =	shalt  }
0x77: {  	_ =	shalt  }
0x78: {  	_ =	shalt  }
0x79: {  	_ =	shalt  }
0x7a: {  	_ =	shalt  }
0x7b: {  	_ =	shalt  }
0x7c: {  	_ =	shalt  }
0x7d: {  	_ =	shalt  }
0x7e: {  	_ =	shalt  }
0x7f: {  	_ =	shalt  }
0x80: {  	_ =	shalt  }
0x81: {  	_ =	shalt  }
0x82: {  	_ =	shalt  }
0x83: {  	_ =	shalt  }
0x84: {  	_ =	shalt  }
0x85: {  	_ =	shalt  }
0x86: {  	_ =	shalt  }
0x87: {  	_ =	shalt  }
.Lfunc_end0:
.L_simem_size_0:
called_computation.1_lowered:
.L_overlay_start_0:
0x88: {  	s2 =	sld [smem:$0x3FD9]  }
0x89: {  	s3 =	sld [smem:$0x3FFE];
	_ =	sdelay $0x1  }
0x8a: {  	s1 =	srdreg.scid  }
0x8b: {  	s0 =	sand.u32 $0x1, s1  }
0x8c: {  	s17 =	sshll.u32 s0, $0xA;
	s2 =	sadd.s32 s3, s2  }
0x8d: {  	s2 =	sadd.s32 s2, s17  }
0x8e: {  	[smem:$0x3FC0] =	sst s2  }
0x8f: {  	_ = 	snop  }
0x90: {  	s2 =	sld [smem:$0x3FD0];
	(tm) =	ssettm $0x1  }
0x91: {  	s18 =	sld [smem:$0x3FFB];
	_ =	sdelay $0x3  }
0x92: {  	_ =	strace s18  }
0x93: {  	s3 =	sld [smem:$0x3FFC];
	_ =	sdelay $0x3  }
0x94: {  	_ =	strace s3  }
0x95: {  	s3 =	sld [smem:$0x3FFD];
	_ =	sdelay $0x3  }
0x96: {  	_ =	strace s3  }
0x97: {  	_ =	strace $0x8FFFFFFF  }
0x98: {  	s19 =	sld [smem:$0x3FDB];
	_ =	sdelay $0x1  }
0x99: {  	s4 =	simm.s32 $_scs_section_size  }
0x9a: {  	s5 =	simm.s32 $_size__tile_overlayer_lowered;
	s6 =	simm.s32 $_tile_overlayer_lowered  }
0x9b: {  	s22 =	simm.s32 $0x1BFF;
	s21 =	sshll.u32 s6, $0x1;
	s3 =	sadd.s32 s4, s19  }
0x9c: {  	s7 =	simm.s32 $0x0;
	s20 =	sshll.u32 s5, $0x1;
	s5 =	sadd.s32 s21, s3  }
0x9d: {  	[timem:s7], [sflag:s22] =	dma.local [hbm:s5], s20  }
0x9e: {  	_ =	swait.ge [sflag:s22], s20  }
0x9f: {  	s4 =	ssub.s32 $0x0, s20;
	[sflag:s22] =	ssyncset.done $0x0  }
0xa0: {  	[sflag:s22] =	ssyncadd.s32 s4;
	_ =	sdelay $0x1  }
0xa1: {  	s23 =	simm.s32 $0x1B8B  }
0xa2: {  	_ =	swait.ge [sflag:s23], $0x1  }
0xa3: {  	[sflag:s23] =	ssyncset.done $0x0  }
0xa4: {  	s25 =	simm.s32 $0x1B8E;
	s24 =	sld [smem:$0x3FFE];
	[sflag:s23] =	ssyncadd.s32 $0xFFFFFFFF  }
0xa5: {  	s26 =	simm.s32 $execute0_lowered;
	[smem:$0x3FD2] =	sst s25  }
0xa6: {  	s5 =	sshll.u32 s26, $0x1;
	_ =	strace $0x80000049;
	[dreg:$0x1] =	wrdreg $0xFFFFFFFF  }
0xa7: {  	s28 =	simm.s32 $_size_execute0_lowered;
	s3 =	sadd.s32 s3, s5;
	[dreg:$0x0] =	wrdreg $0x0  }
0xa8: {  	s5 =	sshll.u32 s28, $0x1;
	[dreg:$0x2] =	wrdreg s3  }
0xa9: {  	[dreg:$0x3] =	wrdreg s5  }
0xaa: {  	[dreg:$0x4] =	wrdreg $0xC0  }
0xab: {  	_ =	task [dreg:s7], $0x5FFFF  }
0xac: {  	[dreg:$0x1] =	wrdreg $0xFFFFFFFF  }
0xad: {  	[dreg:$0x0] =	wrdreg $0x60  }
0xae: {  	[dreg:$0x2] =	wrdreg s24  }
0xaf: {  	[dreg:$0x3] =	wrdreg s2  }
0xb0: {  	[dreg:$0x4] =	wrdreg $0xA0800  }
0xb1: {  	[dreg:$0x5] =	wrdreg $0x9  }
0xb2: {  	_ =	task.clear_ibuf [dreg:s7], $0x6FFFF;
	_ =	strace $0x90000049  }
0xb3: {  	s29 =	simm.s32 $0x9;
	_ =	strace $0x8000004B  }
0xb4: {  	_ =	swait.ge [sflag:s29], $0x1  }
0xb5: {  	[sflag:s29] =	ssyncadd.s32 $0xFFFFFFFF  }
0xb6: {  	_ =	strace $0x9000004B  }
0xb7: {  	_ =	sfence  }
0xb8: {  	s30 =	sld [smem:$0x0];
	_ =	sdelay $0x2  }
0xb9: {  	s31 =	sshll.u32 s1, $0xD;
	s1 =	sshrl.u32 s1, $0x2  }
0xba: {  	s3 =	sand.u32 $0x4000, s31;
	s1 =	sadd.s32 s1, s30  }
0xbb: {  	s0 =	sor.u32 s3, s0;
	s1 =	sshll.u32 s1, $0x11  }
0xbc: {  	s0 =	sor.u32 s1, s0  }
0xbd: {  	s0 =	sadd.s32 $0x8F2B, s0  }
0xbe: {  	[sflag:s0] =	ssyncadd.remote.s32 $0x1  }
0xbf: {  	_ =	sfence.sel $0xFFFF  }
0xc0: {  	[dreg:$0x0] =	wrdreg $0xFFFFFFFF;
	(pc) =	sbr.abs _section_cstart, $3  }
0xc1: {  	[dreg:$0x1] =	wrdreg $0xFFFFFFFF  }
0xc2: {  	_ =	task.clear_ibuf [dreg:s7], $0x2FFFF;
	_ =	strace $0x9FFFFFFF  }
0xc3: {  	(tm) =	ssettm $0x7FFFFFFF  }
tec
execute0_lowered:
.L_overlay_start_1:
0x0: {  	(tag) =	ssettag $0x1  }
0x1: {  	s0 =	srdreg.scid  }
0x2: {  	s11 =	stileid.u32;
	s1 =	rddreg [dreg:$0x0]  }
0x3: {  	s8 =	rddreg [dreg:$0x1];
	s3 =	simm.s32 $0x0;
	s14 =	simm.s32 $0x40  }
0x4: {  	s15 =	simm.s32 $0x4080;
	s16 =	simm.s32 $0x6080;
	s17 =	simm.s32 $0x1  }
0x5: {  	s19 =	simm.s32 $0x8080;
	s20 =	simm.s32 $0x2;
	s22 =	simm.s32 $0x4  }
0x6: {  	s23 =	simm.s32 $0xC0;
	s24 =	simm.s32 $0x3;
	s28 =	simm.s32 $0x100  }
0x7: {  	s29 =	simm.s32 $0x6;
	s30 =	simm.s32 $0x3C80;
	s31 =	simm.s32 $0x0  }
0x8: {  	s0 =	sand.u32 $0x1, s0;
	s2 =	sshll.u32 s11, $0x1;
	s7 =	smul.u32 $0x2800, s11  }
0x9: {  	[smem:$0x7FF] =	sst s3;
	s4 =	sadd.s32 $0xC800, s1;
	s25 =	smul.u32 $0x50000, s11  }
0xa: {  	s11 =	sshll.u32 s11, $0x6;
	s6 =	sor.u32 s0, s2;
	s9 =	smul.u32 $0x28000, s0  }
0xb: {  	s2 =	rddreg [dreg:$0x2];
	s0 =	ssub.s32 $0x2, s0;
	s5 =	smul.u32 $0x288, s6  }
0xc: {  	_ =	strace $0x8000004A;
	s26 =	sshrl.u32 s0, $0x1;
	s12 =	smul.u32 $0x580, s6  }
0xd: {  	s6 =	sor.u32 $0x1C07, s11;
	s7 =	sadd.s32 s7, s9;
	s9 =	sshrl.u32 s25, $0x2  }
.Ltmp0:
0xe: {  	s0 =	ssub.s32 s0, s26;
	s25 =	simm.s32 $0x1580;
	(pc) =	sbr.rel .LBB2_1-.Ltmp0, $4  }
0xf: {  	s26 =	simm.s32 $0x5;
	s10 =	sadd.s32 s5, s1;
	s5 =	sadd.s32 $0x2400, s1  }
0x10: {  	s1 =	sadd.s32 s7, s1;
	s13 =	sadd.s32 s9, s2;
	s8 =	sadd.s32 s8, s12  }
0x11: {  	s12 =	simm.s32 $0x7;
	s7 =	sadd.s32 $0x7600, s10;
	s9 =	sadd.s32 $0x33A00, s1  }
0x12: {  	s10 =	smax.u32 s0, $0x1;
	s11 =	sshrl.u32 s13, $0x3;
	s13 =	simm.s32 $0x1480  }
.LBB2_4:
0x13: {  	_ =	swait.ge [sflag:s24], $0x2000  }
0x14: {  	[sflag:s24] =	ssyncset.done $0x0  }
0x15: {  	[sflag:s24] =	ssyncadd.s32 $0xFFFFE000  }
0x16: {  	[spmem:s2] =	stream.indirect.scatter.add.f32 [tilespmem:s19], [sflag:$0x6], $0x80, s30, s14, $0xb8;
	[tilespmem:$0x1E080] =	vst v63  }
0x17: {  	_ =	swait.ge [sflag:s22], $0x2000  }
0x18: {  	[sflag:s22] =	ssyncset.done $0x0  }
0x19: {  	[sflag:s22] =	ssyncadd.s32 $0xFFFFE000  }
0x1a: {  	_ =	swait.ge [sflag:s26], $0x2000  }
0x1b: {  	[sflag:s26] =	ssyncset.done $0x0  }
0x1c: {  	[sflag:s26] =	ssyncadd.s32 $0xFFFFE000  }
0x1d: {  	_ =	swait.ge [sflag:s29], $0x2000  }
0x1e: {  	s31 =	sadd.s32 $0x1, s31;
	[sflag:s29] =	ssyncset.done $0x0  }
0x1f: {  	p0 =	sne.s32 s31, s10;
	[sflag:s29] =	ssyncadd.s32 $0xFFFFE000  }
.Ltmp1:
0x20: {  	[bflag:$0x0] =	sbarrier.arrive $0xFFFF;
	(pc) =	sbr.rel @!p0 .LBB2_5-.Ltmp1, $4  }
0x21: {  	[hbm:s9], [sflag:s6] =	dma.local [spmem:s11], $0x2800  }
0x22: {  	_ =	swait.ge [sflag:s12], $0x2800  }
0x23: {  	[sflag:s12] =	ssyncset.done $0x0  }
0x24: {  	[sflag:s12] =	ssyncadd.s32 $0xFFFFD800  }
.LBB2_1:
0x25: {  	[spmem:s11], [sflag:s6] =	dma.local [hbm:s5], $0x2800  }
0x26: {  	_ =	swait.ge [sflag:s12], $0x2800  }
0x27: {  	[sflag:s12] =	ssyncset.done $0x0  }
0x28: {  	[sflag:s12] =	ssyncadd.s32 $0xFFFFD800  }
0x29: {  	[tilespmem:s3], [sflag:$0x7] =	stream.linear.gather [hbm4b:s7+s3], $0x1440, $0x38;
	[tilespmem:$0x1E080] =	vst v63  }
0x2a: {  	_ =	swait.ge [sflag:s12], $0x1440  }
0x2b: {  	[sflag:s12] =	ssyncset.done $0x0  }
0x2c: {  	[sflag:s12] =	ssyncadd.s32 $0xFFFFEBC0  }
0x2d: {  	[tilespmem:s13], [sflag:$0x7] =	stream.linear.gather [hbm4b:s8+s3], $0x2880, $0x38;
	[tilespmem:$0x1E080] =	vst v63  }
0x2e: {  	_ =	swait.ge [sflag:s12], $0x2880  }
0x2f: {  	[sflag:s12] =	ssyncset.done $0x0  }
0x30: {  	[sflag:s12] =	ssyncadd.s32 $0xFFFFD780  }
0x31: {  	[bflag:$0x0] =	sbarrier.arrive $0xFFFF  }
0x32: {  	[tilespmem:s15], [sflag:$0x1] =	stream.indirect.gather [hbm4b:s4+s14], $0x80, s3, s14, $0xb8;
	[tilespmem:$0x1E080] =	vst v63  }
0x33: {  	_ = 	snop  }
0x34: {  	[tilespmem:s16], [sflag:$0x2] =	stream.indirect.gather [hbm4b:s4+s14], $0x80, s14, s14, $0xb8;
	[tilespmem:$0x1E080] =	vst v63  }
0x35: {  	_ =	swait.ge [sflag:s17], $0x2000  }
0x36: {  	[sflag:s17] =	ssyncset.done $0x0  }
0x37: {  	[sflag:s17] =	ssyncadd.s32 $0xFFFFE000  }
0x38: {  	[spmem:s2] =	stream.indirect.scatter.add.f32 [tilespmem:s15], [sflag:$0x4], $0x80, s13, s14, $0xb8;
	[tilespmem:$0x1E080] =	vst v63  }
0x39: {  	s0 =	simm.s32 $0x80  }
0x3a: {  	[tilespmem:s19], [sflag:$0x3] =	stream.indirect.gather [hbm4b:s4+s14], $0x80, s0, s14, $0xb8;
	[tilespmem:$0x1E080] =	vst v63  }
0x3b: {  	_ =	swait.ge [sflag:s20], $0x2000  }
0x3c: {  	[sflag:s20] =	ssyncset.done $0x0  }
0x3d: {  	s21 =	simm.s32 $0x1500;
	[sflag:s20] =	ssyncadd.s32 $0xFFFFE000  }
0x3e: {  	[spmem:s2] =	stream.indirect.scatter.add.f32 [tilespmem:s16], [sflag:$0x5], $0x80, s21, s14, $0xb8;
	[tilespmem:$0x1E080] =	vst v63  }
0x3f: {  	_ =	swait.ge [sflag:s22], $0x2000  }
0x40: {  	[sflag:s22] =	ssyncset.done $0x0  }
0x41: {  	[sflag:s22] =	ssyncadd.s32 $0xFFFFE000  }
0x42: {  	[tilespmem:s15], [sflag:$0x1] =	stream.indirect.gather [hbm4b:s4+s14], $0x80, s23, s14, $0xb8;
	[tilespmem:$0x1E080] =	vst v63  }
0x43: {  	_ =	swait.ge [sflag:s24], $0x2000  }
0x44: {  	[sflag:s24] =	ssyncset.done $0x0  }
0x45: {  	[sflag:s24] =	ssyncadd.s32 $0xFFFFE000  }
0x46: {  	[spmem:s2] =	stream.indirect.scatter.add.f32 [tilespmem:s19], [sflag:$0x6], $0x80, s25, s14, $0xb8;
	[tilespmem:$0x1E080] =	vst v63  }
0x47: {  	_ =	swait.ge [sflag:s26], $0x2000  }
0x48: {  	[sflag:s26] =	ssyncset.done $0x0  }
0x49: {  	s1 =	simm.s32 $0x1700;
	s0 =	simm.s32 $0x0;
	[sflag:s26] =	ssyncadd.s32 $0xFFFFE000  }
0x4a: {  	[tilespmem:s16], [sflag:$0x2] =	stream.indirect.gather [hbm4b:s4+s14], $0x80, s28, s14, $0xb8;
	[tilespmem:$0x1E080] =	vst v63  }
.LBB2_2:
0x4b: {  	_ =	swait.ge [sflag:s17], $0x2000  }
0x4c: {  	[sflag:s17] =	ssyncset.done $0x0  }
0x4d: {  	s18 =	sadd.s32 $0xFFFFFF00, s1;
	[sflag:s17] =	ssyncadd.s32 $0xFFFFE000  }
0x4e: {  	[spmem:s2] =	stream.indirect.scatter.add.f32 [tilespmem:s15], [sflag:$0x4], $0x80, s18, s14, $0xb8;
	[tilespmem:$0x1E080] =	vst v63  }
0x4f: {  	_ =	swait.ge [sflag:s29], $0x2000  }
0x50: {  	s18 =	sshra.s32 s0, $0x2;
	[sflag:s29] =	ssyncset.done $0x0  }
0x51: {  	p0 =	seq.s32 s0, $0x4B00;
	s21 =	sadd.s32 $0x140, s18;
	[sflag:s29] =	ssyncadd.s32 $0xFFFFE000  }
0x52: {  	[tilespmem:s19], [sflag:$0x3] =	stream.indirect.gather [hbm4b:s4+s14], $0x80, s21, s14, $0xb8;
	[tilespmem:$0x1E080] =	vst v63  }
.Ltmp2:
0x53: {  	_ = 	snop;
	(pc) =	sbr.rel @p0 .LBB2_4-.Ltmp2, $4  }
0x54: {  	_ =	swait.ge [sflag:s20], $0x2000  }
0x55: {  	[sflag:s20] =	ssyncset.done $0x0  }
0x56: {  	s21 =	sadd.s32 $0xFFFFFF80, s1;
	[sflag:s20] =	ssyncadd.s32 $0xFFFFE000  }
0x57: {  	[spmem:s2] =	stream.indirect.scatter.add.f32 [tilespmem:s16], [sflag:$0x5], $0x80, s21, s14, $0xb8;
	[tilespmem:$0x1E080] =	vst v63  }
0x58: {  	_ =	swait.ge [sflag:s22], $0x2000  }
0x59: {  	[sflag:s22] =	ssyncset.done $0x0  }
0x5a: {  	s21 =	sadd.s32 $0x180, s18;
	[sflag:s22] =	ssyncadd.s32 $0xFFFFE000  }
0x5b: {  	[tilespmem:s15], [sflag:$0x1] =	stream.indirect.gather [hbm4b:s4+s14], $0x80, s21, s14, $0xb8;
	[tilespmem:$0x1E080] =	vst v63  }
0x5c: {  	_ =	swait.ge [sflag:s24], $0x2000  }
0x5d: {  	[sflag:s24] =	ssyncset.done $0x0  }
0x5e: {  	[sflag:s24] =	ssyncadd.s32 $0xFFFFE000  }
0x5f: {  	[spmem:s2] =	stream.indirect.scatter.add.f32 [tilespmem:s19], [sflag:$0x6], $0x80, s1, s14, $0xb8;
	[tilespmem:$0x1E080] =	vst v63  }
.Ltmp3:
0x60: {  	_ = 	snop;
	(pc) =	sbr.rel .LBB2_2-.Ltmp3, $4  }
0x61: {  	_ =	swait.ge [sflag:s26], $0x2000  }
0x62: {  	s0 =	sadd.s32 $0x300, s0;
	[sflag:s26] =	ssyncset.done $0x0  }
0x63: {  	s21 =	sadd.s32 $0x1C0, s18;
	s1 =	sadd.s32 $0x180, s1;
	[sflag:s26] =	ssyncadd.s32 $0xFFFFE000  }
0x64: {  	[tilespmem:s16], [sflag:$0x2] =	stream.indirect.gather [hbm4b:s4+s14], $0x80, s21, s14, $0xb8;
	[tilespmem:$0x1E080] =	vst v63  }
.LBB2_5:
0x65: {  	_ =	sfence.sel $0x180000  }
0x66: {  	[bflag:$0x0] =	sbarrier.arrive $0xFFFF  }
0x67: {  	_ =	strace $0x9000004A  }
0x68: {  	s0 =	stileid.u32;
	[bflag:$0x2] =	sbarrier.arrive $0xFFFF  }
0x69: {  	p0 =	sne.s32 s0, $0x0;
	s0 =	rddreg [dreg:$0x3]  }
0x6a: {  	s0 =	sadd.s32 @!p0 $0x100000, s0  }
0x6b: {  	[sflag:s0] =	ssyncadd.tile.s32 @!p0 $0x1;
	_ =	shalt  }
.Lfunc_end2:
_tile_overlayer_lowered:
.L_overlay_start_2:
0x6c: {  	(tag) =	ssettag $0x2  }
0x6d: {  	s0 =	rddreg [dreg:$0x0];
	s2 =	stileid.u32  }
0x6e: {  	s1 =	rddreg [dreg:$0x1];
	p0 =	sne.s32 s2, $0x0  }
0x6f: {  	s3 =	rddreg [dreg:$0x2];
	[bflag:$0x3] =	sbarrier.arrive $0xFFFF;
	s2 =	simm.s32 @!p0 $0x1C07  }
0x70: {  	[timem:s3], [sflag:s2] =	dma.local @!p0 [hbm:s0], s1  }
0x71: {  	s0 =	simm.s32 @!p0 $0x7  }
0x72: {  	_ =	swait.ge @!p0 [sflag:s0], s1  }
0x73: {  	s1 =	ssub.s32 @!p0 $0x0, s1;
	[sflag:s0] =	ssyncset.done @!p0 $0x0  }
0x74: {  	[sflag:s0] =	ssyncadd.s32 @!p0 s1  }
0x75: {  	[bflag:$0x3] =	sbarrier.arrive $0xFFFF  }
0x76: {  	_ =	shalt  }

// kernel: kernel.8.cloned.1.call-start
scs
__scs_entry_jumppad:
0x0: {  	(pc) =	sbr.rel $0x88, $3  }
0x1: {  	(tag) =	ssettag $0x0;
	lr =	simm.s32 $0x1  }
0x2: {  	[smem:$0x3F99] =	sst lr;
	_ =	strace $0xD0000000  }
0x3: {  	_ = 	snop  }
0x4: {  	_ = 	snop  }
0x5: {  	_ = 	snop  }
0x6: {  	_ = 	snop  }
0x7: {  	_ = 	snop  }
__scs_overlays_trampoline_lowered:
0x8: {  	[smem:$0x3FA8] =	sst s0  }
0x9: {  	[smem:$0x3FA9] =	sst s1  }
0xa: {  	[smem:$0x3FAA] =	sst s2  }
0xb: {  	[smem:$0x3FAB] =	sst s3  }
0xc: {  	[smem:$0x3FAC] =	sst s4  }
0xd: {  	[smem:$0x3FAD] =	sst s5  }
0xe: {  	[smem:$0x3FAE] =	sst s6  }
0xf: {  	[smem:$0x3FAF] =	sst s7  }
0x10: {  	[smem:$0x3FB0] =	sst s8  }
0x11: {  	[smem:$0x3FB1] =	sst s9;
	s0 =	simm.s32 @!p0 $0x0  }
0x12: {  	s1 =	sld [smem:$0x3F97];
	s0 =	simm.s32 @p0 $0x1  }
0x13: {  	[smem:$0x3FB2] =	sst s0;
	s0 =	simm.s32 @!p1 $0x0  }
0x14: {  	s2 =	sld [smem:$0x3F96];
	s0 =	simm.s32 @p1 $0x1  }
0x15: {  	[smem:$0x3FB3] =	sst s0;
	s0 =	simm.s32 @!p2 $0x0  }
0x16: {  	s3 =	sld [smem:$0x3FDB];
	s0 =	simm.s32 @p2 $0x1  }
0x17: {  	s4 =	simm.s32 $0x1BF5;
	[smem:$0x3FB5] =	sst s0  }
0x18: {  	s0 =	sld [smem:$0x3F98];
	_ =	swait.ge [sflag:s4], $0x0  }
0x19: {  	s7 =	sld [smem:$0x3F99]  }
0x1a: {  	s8 =	sadd.s32 $0xFFFFE003, lr  }
0x1b: {  	s9 =	sadd.s32 $0xFFFFFEF7, lr;
	s5 =	simm.s32 $0xFFFFFFFF;
	p2 =	slt.u32 s8, $0xFFFFF086  }
0x1c: {  	p1 =	slt.u32 s9, $0xF7A;
	s5 =	simm.s32 @!p2 $0x0  }
0x1d: {  	s5 =	simm.s32 @p1 $0x1;
	p0 =	seq.s32 s7, s2  }
0x1e: {  	s7 =	smul.u32 @!p0 $0xF7A, s2;
	p2 =	seq.s32 @!p0 s5, $0x0  }
0x1f: {  	s9 =	smul.u32 $0xF7A, s1;
	s8 =	simm.s32 @!p0 $0x1BF5;
	p2 =	por !p2, p0  }
0x20: {  	[sflag:s8] =	ssyncset.s32 @!p0 $0xFFFFF086;
	s6 =	sadd.s32 @!p0 s3, s7;
	s7 =	simm.s32 @!p0 $0x108  }
0x21: {  	s3 =	sadd.s32 s3, s9;
	s6 =	sadd.s32 @!p0 $0x88, s6;
	s7 =	simm.s32 @p2 $0x1082  }
0x22: {  	[simem:s7], [sflag:s8] =	dma.local @!p0 [hbm:s6], $0xF7A  }
0x23: {  	s9 =	sor.u32 $0xD0000000, s2;
	s6 =	simm.s32 $0x108;
	_ =	swait.ge @!p0 [sflag:s8], $0x0  }
0x24: {  	s3 =	sadd.s32 $0x88, s3;
	s6 =	simm.s32 @!p1 $0x1082;
	[sflag:s4] =	ssyncset.s32 $0xFFFFF086  }
0x25: {  	[simem:s6], [sflag:s4] =	dma.local [hbm:s3], $0xF7A  }
0x26: {  	[smem:$0x3F99] =	sst s1;
	(tag) =	ssettag s2;
	_ =	strace s9  }
0x27: {  	s1 =	sld [smem:$0x3FA9]  }
0x28: {  	s2 =	sld [smem:$0x3FAA]  }
0x29: {  	s4 =	sld [smem:$0x3FAC]  }
0x2a: {  	p0 =	seq.s32 s5, $0x0;
	s5 =	sld [smem:$0x3FAD]  }
0x2b: {  	s6 =	sld [smem:$0x3FAE]  }
0x2c: {  	s7 =	sld [smem:$0x3FAF]  }
0x2d: {  	s3 =	simm.s32 $0x108;
	s8 =	sld [smem:$0x3FB0]  }
0x2e: {  	s3 =	simm.s32 @!p0 $0x1082;
	s9 =	sld [smem:$0x3FB1]  }
0x2f: {  	lr =	sadd.s32 s0, s3;
	s0 =	sld [smem:$0x3FA8]  }
0x30: {  	s3 =	sld [smem:$0x3FAB]  }
0x31: {  	[smem:$0x3FB4] =	sst s10  }
0x32: {  	s10 =	sld [smem:$0x3FB2];
	_ =	sdelay $0x3  }
0x33: {  	p0 =	seq.s32 s10, $0x1;
	s10 =	sld [smem:$0x3FB4];
	_ =	sdelay $0x3  }
0x34: {  	[smem:$0x3FB4] =	sst s10  }
0x35: {  	s10 =	sld [smem:$0x3FB3];
	_ =	sdelay $0x3  }
0x36: {  	p1 =	seq.s32 s10, $0x1;
	s10 =	sld [smem:$0x3FB4];
	_ =	sdelay $0x3  }
0x37: {  	[smem:$0x3FB4] =	sst s10  }
0x38: {  	s10 =	sld [smem:$0x3FB5]  }
0x39: {  	_ = 	snop;
	(pc) =	sbr.ind lr, $3  }
0x3a: {  	_ = 	snop  }
0x3b: {  	_ = 	snop  }
0x3c: {  	p2 =	seq.s32 s10, $0x1;
	s10 =	sld [smem:$0x3FB4]  }
0x3d: {  	_ =	shalt  }
0x3e: {  	_ =	shalt  }
0x3f: {  	_ =	shalt  }
0x40: {  	_ =	shalt  }
0x41: {  	_ =	shalt  }
0x42: {  	_ =	shalt  }
0x43: {  	_ =	shalt  }
0x44: {  	_ =	shalt  }
0x45: {  	_ =	shalt  }
0x46: {  	_ =	shalt  }
0x47: {  	_ =	shalt  }
0x48: {  	_ =	shalt  }
0x49: {  	_ =	shalt  }
0x4a: {  	_ =	shalt  }
0x4b: {  	_ =	shalt  }
0x4c: {  	_ =	shalt  }
0x4d: {  	_ =	shalt  }
0x4e: {  	_ =	shalt  }
0x4f: {  	_ =	shalt  }
0x50: {  	_ =	shalt  }
0x51: {  	_ =	shalt  }
0x52: {  	_ =	shalt  }
0x53: {  	_ =	shalt  }
0x54: {  	_ =	shalt  }
0x55: {  	_ =	shalt  }
0x56: {  	_ =	shalt  }
0x57: {  	_ =	shalt  }
0x58: {  	_ =	shalt  }
0x59: {  	_ =	shalt  }
0x5a: {  	_ =	shalt  }
0x5b: {  	_ =	shalt  }
0x5c: {  	_ =	shalt  }
0x5d: {  	_ =	shalt  }
0x5e: {  	_ =	shalt  }
0x5f: {  	_ =	shalt  }
0x60: {  	_ =	shalt  }
0x61: {  	_ =	shalt  }
0x62: {  	_ =	shalt  }
0x63: {  	_ =	shalt  }
0x64: {  	_ =	shalt  }
0x65: {  	_ =	shalt  }
0x66: {  	_ =	shalt  }
0x67: {  	_ =	shalt  }
0x68: {  	_ =	shalt  }
0x69: {  	_ =	shalt  }
0x6a: {  	_ =	shalt  }
0x6b: {  	_ =	shalt  }
0x6c: {  	_ =	shalt  }
0x6d: {  	_ =	shalt  }
0x6e: {  	_ =	shalt  }
0x6f: {  	_ =	shalt  }
0x70: {  	_ =	shalt  }
0x71: {  	_ =	shalt  }
0x72: {  	_ =	shalt  }
0x73: {  	_ =	shalt  }
0x74: {  	_ =	shalt  }
0x75: {  	_ =	shalt  }
0x76: {  	_ =	shalt  }
0x77: {  	_ =	shalt  }
0x78: {  	_ =	shalt  }
0x79: {  	_ =	shalt  }
0x7a: {  	_ =	shalt  }
0x7b: {  	_ =	shalt  }
0x7c: {  	_ =	shalt  }
0x7d: {  	_ =	shalt  }
0x7e: {  	_ =	shalt  }
0x7f: {  	_ =	shalt  }
0x80: {  	_ =	shalt  }
0x81: {  	_ =	shalt  }
0x82: {  	_ =	shalt  }
0x83: {  	_ =	shalt  }
0x84: {  	_ =	shalt  }
0x85: {  	_ =	shalt  }
0x86: {  	_ =	shalt  }
0x87: {  	_ =	shalt  }
.Lfunc_end0:
.L_simem_size_0:
called_computation_lowered:
.L_overlay_start_0:
0x88: {  	s2 =	sld [smem:$0x3FD9]  }
0x89: {  	s3 =	sld [smem:$0x3FFE];
	_ =	sdelay $0x1  }
0x8a: {  	s1 =	srdreg.scid  }
0x8b: {  	s0 =	sand.u32 $0x1, s1  }
0x8c: {  	s16 =	sshll.u32 s0, $0xA;
	s2 =	sadd.s32 s3, s2  }
0x8d: {  	s2 =	sadd.s32 s2, s16  }
0x8e: {  	[smem:$0x3FC0] =	sst s2  }
0x8f: {  	_ = 	snop  }
0x90: {  	(tm) =	ssettm $0x1  }
0x91: {  	s17 =	sld [smem:$0x3FFB];
	_ =	sdelay $0x3  }
0x92: {  	_ =	strace s17  }
0x93: {  	s2 =	sld [smem:$0x3FFC];
	_ =	sdelay $0x3  }
0x94: {  	_ =	strace s2  }
0x95: {  	s2 =	sld [smem:$0x3FFD];
	_ =	sdelay $0x3  }
0x96: {  	_ =	strace s2  }
0x97: {  	_ =	strace $0x8FFFFFFF  }
0x98: {  	s18 =	sld [smem:$0x3FDB];
	_ =	sdelay $0x1  }
0x99: {  	s19 =	simm.s32 $_scs_section_size  }
0x9a: {  	s4 =	simm.s32 $_size__tile_overlayer_lowered;
	s5 =	simm.s32 $_tile_overlayer_lowered  }
0x9b: {  	s22 =	simm.s32 $0x1BFF;
	s21 =	sshll.u32 s5, $0x1;
	s2 =	sadd.s32 s19, s18  }
0x9c: {  	s6 =	simm.s32 $0x0;
	s20 =	sshll.u32 s4, $0x1;
	s4 =	sadd.s32 s21, s2  }
0x9d: {  	[timem:s6], [sflag:s22] =	dma.local [hbm:s4], s20  }
0x9e: {  	_ =	swait.ge [sflag:s22], s20  }
0x9f: {  	s3 =	ssub.s32 $0x0, s20;
	[sflag:s22] =	ssyncset.done $0x0  }
0xa0: {  	[sflag:s22] =	ssyncadd.s32 s3;
	_ =	sdelay $0x1  }
0xa1: {  	s23 =	simm.s32 $0x1B8B  }
0xa2: {  	_ =	swait.ge [sflag:s23], $0x1  }
0xa3: {  	[sflag:s23] =	ssyncset.done $0x0  }
0xa4: {  	s25 =	simm.s32 $0x1B8E;
	s24 =	sld [smem:$0x3FFE];
	[sflag:s23] =	ssyncadd.s32 $0xFFFFFFFF  }
0xa5: {  	s26 =	simm.s32 $execute0_lowered;
	[smem:$0x3FD2] =	sst s25  }
0xa6: {  	s4 =	sshll.u32 s26, $0x1;
	_ =	strace $0x80000046;
	[dreg:$0x1] =	wrdreg $0xFFFFFFFF  }
0xa7: {  	s28 =	simm.s32 $_size_execute0_lowered;
	s2 =	sadd.s32 s2, s4;
	[dreg:$0x0] =	wrdreg $0x0  }
0xa8: {  	s4 =	sshll.u32 s28, $0x1;
	[dreg:$0x2] =	wrdreg s2  }
0xa9: {  	[dreg:$0x3] =	wrdreg s4  }
0xaa: {  	[dreg:$0x4] =	wrdreg $0xC0  }
0xab: {  	_ =	task [dreg:s6], $0x5FFFF  }
0xac: {  	[dreg:$0x1] =	wrdreg $0xFFFFFFFF  }
0xad: {  	[dreg:$0x0] =	wrdreg $0x60  }
0xae: {  	[dreg:$0x2] =	wrdreg s24  }
0xaf: {  	[dreg:$0x3] =	wrdreg $0x67000  }
0xb0: {  	[dreg:$0x4] =	wrdreg $0x9  }
0xb1: {  	_ =	task.clear_ibuf [dreg:s6], $0x5FFFF;
	_ =	strace $0x90000046  }
0xb2: {  	s29 =	simm.s32 $0x9;
	_ =	strace $0x80000048  }
0xb3: {  	_ =	swait.ge [sflag:s29], $0x1  }
0xb4: {  	[sflag:s29] =	ssyncadd.s32 $0xFFFFFFFF  }
0xb5: {  	_ =	strace $0x90000048  }
0xb6: {  	_ =	sfence  }
0xb7: {  	s30 =	sld [smem:$0x0];
	_ =	sdelay $0x2  }
0xb8: {  	s31 =	sshll.u32 s1, $0xD;
	s1 =	sshrl.u32 s1, $0x2  }
0xb9: {  	s3 =	sand.u32 $0x4000, s31;
	s1 =	sadd.s32 s1, s30  }
0xba: {  	s0 =	sor.u32 s3, s0;
	s1 =	sshll.u32 s1, $0x11  }
0xbb: {  	s0 =	sor.u32 s1, s0  }
0xbc: {  	s0 =	sadd.s32 $0x8F2B, s0  }
0xbd: {  	[sflag:s0] =	ssyncadd.remote.s32 $0x1  }
0xbe: {  	_ =	sfence.sel $0xFFFF  }
0xbf: {  	[dreg:$0x0] =	wrdreg $0xFFFFFFFF;
	(pc) =	sbr.abs _section_cstart, $3  }
0xc0: {  	[dreg:$0x1] =	wrdreg $0xFFFFFFFF  }
0xc1: {  	_ =	task.clear_ibuf [dreg:s6], $0x2FFFF;
	_ =	strace $0x9FFFFFFF  }
0xc2: {  	(tm) =	ssettm $0x7FFFFFFF  }
0xc3: {  	_ =	shalt  }
tec
execute0_lowered:
.L_overlay_start_1:
0x0: {  	(tag) =	ssettag $0x1  }
0x1: {  	s0 =	rddreg [dreg:$0x0]  }
0x2: {  	s1 =	rddreg [dreg:$0x1]  }
0x3: {  	s2 =	simm.s32 $0x0;
	s3 =	srdreg.scid;
	s7 =	stileid.u32  }
0x4: {  	s23 =	simm.s32 $0x1;
	s24 =	simm.s32 $0x1480;
	s25 =	simm.s32 $0x0  }
0x5: {  	s3 =	sand.u32 $0x1, s3;
	s4 =	sshll.u32 s7, $0x1;
	s5 =	smul.u32 $0x280, s7  }
0x6: {  	[smem:$0x7FF] =	sst s2;
	s7 =	smul.u32 $0xA000, s7;
	s4 =	sor.u32 s3, s4  }
0x7: {  	s6 =	smul.u32 $0x2800, s3;
	_ =	strace $0x80000047;
	s3 =	ssub.s32 $0x2, s3  }
0x8: {  	s4 =	smul.u32 $0x288, s4;
	s8 =	sshrl.u32 s3, $0x1;
	s31 =	sshrl.u32 s7, $0x2  }
0x9: {  	s6 =	sadd.s32 s5, s6;
	s22 =	ssub.s32 s3, s8;
	s5 =	sadd.s32 s5, s1  }
0xa: {  	s4 =	sadd.s32 s4, s0;
	s6 =	sshrl.u32 s6, $0x3;
	s7 =	sadd.s32 $0x5000, s5  }
0xb: {  	s8 =	sadd.s32 $0x7800, s5;
	s9 =	sadd.s32 $0xA000, s5;
	s10 =	sadd.s32 $0xC800, s5  }
0xc: {  	s11 =	sadd.s32 $0xF000, s5;
	s12 =	sadd.s32 $0x11800, s5;
	s13 =	sadd.s32 $0x14000, s5  }
0xd: {  	s14 =	sadd.s32 $0x16800, s5;
	s15 =	sadd.s32 $0x19000, s5;
	s16 =	sadd.s32 $0x1B800, s5  }
0xe: {  	s17 =	sadd.s32 $0x1E000, s5;
	s18 =	sadd.s32 $0x20800, s5;
	s19 =	sadd.s32 $0x23000, s5  }
0xf: {  	s20 =	sadd.s32 $0x25800, s5;
	s22 =	smax.u32 s22, $0x1;
	s0 =	sadd.s32 s6, s0  }
0x10: {  	s3 =	sadd.s32 $0x2400, s4;
	s4 =	sadd.s32 s31, s1;
	s6 =	sadd.s32 $0x2800, s5  }
0x11: {  	v0 =	vimm.f32 $0.0e+00;
	v1 =	vimm.f32 $1.000000000e+00;
	s1 =	simm.s32 $0x6480;
	s21 =	sadd.s32 $0xC800, s0;
	s0 =	simm.s32 $0x6200  }
.LBB2_1:
0x12: {  	[tilespmem:s2], [sflag:$0x1] =	stream.linear.gather [hbm4b:s3+s2], $0x1440, $0x38;
	[tilespmem:$0x8F00] =	vst v63  }
0x13: {  	_ =	swait.ge [sflag:s23], $0x1440  }
0x14: {  	[sflag:s23] =	ssyncset.done $0x0  }
0x15: {  	s26 =	simm.s32 $0x0;
	[sflag:s23] =	ssyncadd.s32 $0xFFFFEBC0  }
.LBB2_2:
0x16: {  	p0 =	sne.s32 s26, $0x9FC0  }
.Ltmp0:
0x17: {  	_ = 	snop;
	(pc) =	sbr.rel @p0 .LBB2_2-.Ltmp0, $3  }
0x18: {  	_ =	sdelay $0x1  }
0x19: {  	s28 =	sshra.s32 s26, $0x2  }
0x1a: {  	s26 =	sadd.s32 $0x40, s26;
	[tilespmem:s28+$0x1480] =	vst v0  }
0x1b: {  	s28 =	simm.s32 $0x0;
	s26 =	simm.s32 $0x40  }
.LBB2_4:
0x1c: {  	p0 =	sne.s32 s26, $0x50C0;
	v2 =	vld [tilespmem:s28+$0x0];
	_ =	sdelay $0x3  }
.Ltmp1:
0x1d: {  	(pc) =	sbr.rel @p0 .LBB2_4-.Ltmp1, $2  }
0x1e: {  	_ =	sdelay $0x2  }
0x1f: {  	s28 =	sshra.s32 s26, $0x2;
	s26 =	sadd.s32 $0x40, s26;
	[tilespmem:v2+s24+$0x0] =	vst.idx.add.f32.msk $0xffff, v1  }
0x20: {  	v2 =	vld [tilespmem:s28+$0x0];
	_ =	sdelay $0x7  }
0x21: {  	[tilespmem:v2+s24+$0x0] =	vst.idx.add.f32.msk $0xffff, v1  }
0x22: {  	[spmem:s4] =	stream.linear.scatter [tilespmem:s24], [sflag:$0x1], $0x2800, $0x38;
	[tilespmem:$0x8F00] =	vst v63  }
0x23: {  	_ =	swait.ge [sflag:s23], $0x2800  }
0x24: {  	[sflag:s23] =	ssyncset.done $0x0  }
0x25: {  	[sflag:s23] =	ssyncadd.s32 $0xFFFFD800  }
0x26: {  	s26 =	simm.s32 $0x3C80;
	[bflag:$0x0] =	sbarrier.arrive $0xFFFF  }
0x27: {  	[tilespmem:s26], [sflag:$0x1] =	stream.linear.gather [spmem:s5], $0x280, $0x38;
	[tilespmem:$0x8F00] =	vst v63  }
0x28: {  	_ =	swait.ge [sflag:s23], $0x280  }
0x29: {  	[sflag:s23] =	ssyncset.done $0x0  }
0x2a: {  	s28 =	simm.s32 $0x3F00;
	[sflag:s23] =	ssyncadd.s32 $0xFFFFFD80  }
0x2b: {  	[tilespmem:s28], [sflag:$0x1] =	stream.linear.gather [spmem:s6], $0x280, $0x38;
	[tilespmem:$0x8F00] =	vst v63  }
0x2c: {  	_ =	swait.ge [sflag:s23], $0x280  }
0x2d: {  	[sflag:s23] =	ssyncset.done $0x0  }
0x2e: {  	s28 =	simm.s32 $0x4180;
	[sflag:s23] =	ssyncadd.s32 $0xFFFFFD80  }
0x2f: {  	[tilespmem:s28], [sflag:$0x1] =	stream.linear.gather [spmem:s7], $0x280, $0x38;
	[tilespmem:$0x8F00] =	vst v63  }
0x30: {  	_ =	swait.ge [sflag:s23], $0x280  }
0x31: {  	[sflag:s23] =	ssyncset.done $0x0  }
0x32: {  	s28 =	simm.s32 $0x4400;
	[sflag:s23] =	ssyncadd.s32 $0xFFFFFD80  }
0x33: {  	[tilespmem:s28], [sflag:$0x1] =	stream.linear.gather [spmem:s8], $0x280, $0x38;
	[tilespmem:$0x8F00] =	vst v63  }
0x34: {  	_ =	swait.ge [sflag:s23], $0x280  }
0x35: {  	[sflag:s23] =	ssyncset.done $0x0  }
0x36: {  	s28 =	simm.s32 $0x4680;
	[sflag:s23] =	ssyncadd.s32 $0xFFFFFD80  }
0x37: {  	[tilespmem:s28], [sflag:$0x1] =	stream.linear.gather [spmem:s9], $0x280, $0x38;
	[tilespmem:$0x8F00] =	vst v63  }
0x38: {  	_ =	swait.ge [sflag:s23], $0x280  }
0x39: {  	[sflag:s23] =	ssyncset.done $0x0  }
0x3a: {  	s28 =	simm.s32 $0x4900;
	[sflag:s23] =	ssyncadd.s32 $0xFFFFFD80  }
0x3b: {  	[tilespmem:s28], [sflag:$0x1] =	stream.linear.gather [spmem:s10], $0x280, $0x38;
	[tilespmem:$0x8F00] =	vst v63  }
0x3c: {  	_ =	swait.ge [sflag:s23], $0x280  }
0x3d: {  	[sflag:s23] =	ssyncset.done $0x0  }
0x3e: {  	s28 =	simm.s32 $0x4B80;
	[sflag:s23] =	ssyncadd.s32 $0xFFFFFD80  }
0x3f: {  	[tilespmem:s28], [sflag:$0x1] =	stream.linear.gather [spmem:s11], $0x280, $0x38;
	[tilespmem:$0x8F00] =	vst v63  }
0x40: {  	_ =	swait.ge [sflag:s23], $0x280  }
0x41: {  	[sflag:s23] =	ssyncset.done $0x0  }
0x42: {  	s28 =	simm.s32 $0x4E00;
	[sflag:s23] =	ssyncadd.s32 $0xFFFFFD80  }
0x43: {  	[tilespmem:s28], [sflag:$0x1] =	stream.linear.gather [spmem:s12], $0x280, $0x38;
	[tilespmem:$0x8F00] =	vst v63  }
0x44: {  	_ =	swait.ge [sflag:s23], $0x280  }
0x45: {  	[sflag:s23] =	ssyncset.done $0x0  }
0x46: {  	s28 =	simm.s32 $0x5080;
	[sflag:s23] =	ssyncadd.s32 $0xFFFFFD80  }
0x47: {  	[tilespmem:s28], [sflag:$0x1] =	stream.linear.gather [spmem:s13], $0x280, $0x38;
	[tilespmem:$0x8F00] =	vst v63  }
0x48: {  	_ =	swait.ge [sflag:s23], $0x280  }
0x49: {  	[sflag:s23] =	ssyncset.done $0x0  }
0x4a: {  	s28 =	simm.s32 $0x5300;
	[sflag:s23] =	ssyncadd.s32 $0xFFFFFD80  }
0x4b: {  	[tilespmem:s28], [sflag:$0x1] =	stream.linear.gather [spmem:s14], $0x280, $0x38;
	[tilespmem:$0x8F00] =	vst v63  }
0x4c: {  	_ =	swait.ge [sflag:s23], $0x280  }
0x4d: {  	[sflag:s23] =	ssyncset.done $0x0  }
0x4e: {  	s28 =	simm.s32 $0x5580;
	[sflag:s23] =	ssyncadd.s32 $0xFFFFFD80  }
0x4f: {  	[tilespmem:s28], [sflag:$0x1] =	stream.linear.gather [spmem:s15], $0x280, $0x38;
	[tilespmem:$0x8F00] =	vst v63  }
0x50: {  	_ =	swait.ge [sflag:s23], $0x280  }
0x51: {  	[sflag:s23] =	ssyncset.done $0x0  }
0x52: {  	s28 =	simm.s32 $0x5800;
	[sflag:s23] =	ssyncadd.s32 $0xFFFFFD80  }
0x53: {  	[tilespmem:s28], [sflag:$0x1] =	stream.linear.gather [spmem:s16], $0x280, $0x38;
	[tilespmem:$0x8F00] =	vst v63  }
0x54: {  	_ =	swait.ge [sflag:s23], $0x280  }
0x55: {  	[sflag:s23] =	ssyncset.done $0x0  }
0x56: {  	s28 =	simm.s32 $0x5A80;
	[sflag:s23] =	ssyncadd.s32 $0xFFFFFD80  }
0x57: {  	[tilespmem:s28], [sflag:$0x1] =	stream.linear.gather [spmem:s17], $0x280, $0x38;
	[tilespmem:$0x8F00] =	vst v63  }
0x58: {  	_ =	swait.ge [sflag:s23], $0x280  }
0x59: {  	[sflag:s23] =	ssyncset.done $0x0  }
0x5a: {  	s28 =	simm.s32 $0x5D00;
	[sflag:s23] =	ssyncadd.s32 $0xFFFFFD80  }
0x5b: {  	[tilespmem:s28], [sflag:$0x1] =	stream.linear.gather [spmem:s18], $0x280, $0x38;
	[tilespmem:$0x8F00] =	vst v63  }
0x5c: {  	_ =	swait.ge [sflag:s23], $0x280  }
0x5d: {  	[sflag:s23] =	ssyncset.done $0x0  }
0x5e: {  	s28 =	simm.s32 $0x5F80;
	[sflag:s23] =	ssyncadd.s32 $0xFFFFFD80  }
0x5f: {  	[tilespmem:s28], [sflag:$0x1] =	stream.linear.gather [spmem:s19], $0x280, $0x38;
	[tilespmem:$0x8F00] =	vst v63  }
0x60: {  	_ =	swait.ge [sflag:s23], $0x280  }
0x61: {  	[sflag:s23] =	ssyncset.done $0x0  }
0x62: {  	[sflag:s23] =	ssyncadd.s32 $0xFFFFFD80  }
0x63: {  	[tilespmem:s0], [sflag:$0x1] =	stream.linear.gather [spmem:s20], $0x280, $0x38;
	[tilespmem:$0x8F00] =	vst v63  }
0x64: {  	_ =	swait.ge [sflag:s23], $0x280  }
0x65: {  	[sflag:s23] =	ssyncset.done $0x0  }
0x66: {  	[sflag:s23] =	ssyncadd.s32 $0xFFFFFD80  }
0x67: {  	s28 =	simm.s32 $0x0;
	v2 =	vld [tilespmem:s26+$0x0]  }
0x68: {  	s31 =	sand.u32 $0x3F0, s28  }
0x69: {  	v3 =	vld [tilespmem:s31+$0x3F00];
	_ =	sdelay $0x1  }
0x6a: {  	v4 =	vld [tilespmem:s31+$0x4180]  }
0x6b: {  	v2 =	vadd.f32 $0.0e+00, v2  }
0x6c: {  	v5 =	vld [tilespmem:s31+$0x4400]  }
0x6d: {  	v2 =	vadd.f32 v3, v2  }
0x6e: {  	v3 =	vld [tilespmem:s31+$0x4680]  }
0x6f: {  	v2 =	vadd.f32 v4, v2  }
0x70: {  	v56 =	vld [tilespmem:s31+$0x4900]  }
0x71: {  	v2 =	vadd.f32 v5, v2  }
0x72: {  	v57 =	vld [tilespmem:s31+$0x4B80]  }
0x73: {  	v2 =	vadd.f32 v3, v2  }
0x74: {  	v3 =	vld [tilespmem:s31+$0x4E00]  }
0x75: {  	v2 =	vadd.f32 v56, v2  }
0x76: {  	v58 =	vld [tilespmem:s31+$0x5080]  }
0x77: {  	v2 =	vadd.f32 v57, v2  }
0x78: {  	v59 =	vld [tilespmem:s31+$0x5300]  }
0x79: {  	v2 =	vadd.f32 v3, v2  }
0x7a: {  	v3 =	vld [tilespmem:s31+$0x5580]  }
0x7b: {  	v2 =	vadd.f32 v58, v2  }
0x7c: {  	v60 =	vld [tilespmem:s31+$0x5800]  }
0x7d: {  	v2 =	vadd.f32 v59, v2  }
0x7e: {  	v61 =	vld [tilespmem:s31+$0x5A80]  }
0x7f: {  	v2 =	vadd.f32 v3, v2  }
0x80: {  	v3 =	vld [tilespmem:s31+$0x5D00]  }
0x81: {  	v2 =	vadd.f32 v60, v2  }
0x82: {  	v62 =	vld [tilespmem:s31+$0x5F80]  }
0x83: {  	v2 =	vadd.f32 v61, v2  }
0x84: {  	v63 =	vld [tilespmem:s31+$0x6200]  }
0x85: {  	v2 =	vadd.f32 v3, v2;
	_ =	sdelay $0x1  }
0x86: {  	v2 =	vadd.f32 v62, v2;
	_ =	sdelay $0x1  }
0x87: {  	v2 =	vadd.f32 v63, v2  }
0x88: {  	s26 =	simm.s32 $0x6480  }
0x89: {  	s28 =	simm.s32 $0x3C90;
	[tilespmem:s26+$0x0] =	vst v2  }
0x8a: {  	s29 =	simm.s32 $0x10;
	s30 =	simm.s32 $0x20;
	v2 =	vld [tilespmem:s28+$0x0]  }
.LBB2_6:
0x8b: {  	p0 =	sne.s32 s30, $0x270;
	s31 =	sand.u32 $0x3F0, s29;
	s29 =	smov.u32 s30  }
0x8c: {  	v3 =	vld [tilespmem:s31+$0x3F00];
	_ =	sdelay $0x1  }
0x8d: {  	v4 =	vld [tilespmem:s31+$0x4180]  }
0x8e: {  	v2 =	vadd.f32 $0.0e+00, v2  }
0x8f: {  	v5 =	vld [tilespmem:s31+$0x4400]  }
0x90: {  	v2 =	vadd.f32 v3, v2  }
0x91: {  	v3 =	vld [tilespmem:s31+$0x4680]  }
0x92: {  	v2 =	vadd.f32 v4, v2  }
0x93: {  	v4 =	vld [tilespmem:s31+$0x4900]  }
0x94: {  	v2 =	vadd.f32 v5, v2  }
0x95: {  	v5 =	vld [tilespmem:s31+$0x4B80]  }
0x96: {  	v2 =	vadd.f32 v3, v2  }
0x97: {  	v3 =	vld [tilespmem:s31+$0x4E00]  }
0x98: {  	v2 =	vadd.f32 v4, v2  }
0x99: {  	v4 =	vld [tilespmem:s31+$0x5080]  }
0x9a: {  	v2 =	vadd.f32 v5, v2  }
0x9b: {  	v5 =	vld [tilespmem:s31+$0x5300]  }
0x9c: {  	v2 =	vadd.f32 v3, v2  }
0x9d: {  	v3 =	vld [tilespmem:s31+$0x5580]  }
0x9e: {  	v2 =	vadd.f32 v4, v2  }
0x9f: {  	v4 =	vld [tilespmem:s31+$0x5800]  }
0xa0: {  	v2 =	vadd.f32 v5, v2  }
0xa1: {  	v5 =	vld [tilespmem:s31+$0x5A80]  }
0xa2: {  	v2 =	vadd.f32 v3, v2  }
0xa3: {  	v3 =	vld [tilespmem:s31+$0x5D00]  }
0xa4: {  	v2 =	vadd.f32 v4, v2  }
0xa5: {  	v4 =	vld [tilespmem:s31+$0x5F80]  }
0xa6: {  	v2 =	vadd.f32 v5, v2  }
0xa7: {  	v5 =	vld [tilespmem:s31+$0x6200]  }
0xa8: {  	v2 =	vadd.f32 v3, v2;
	_ =	sdelay $0x1  }
0xa9: {  	v2 =	vadd.f32 v4, v2  }
.Ltmp2:
0xaa: {  	(pc) =	sbr.rel @p0 .LBB2_6-.Ltmp2, $4  }
0xab: {  	v2 =	vadd.f32 v5, v2  }
0xac: {  	s26 =	sadd.s32 $0x10, s26  }
0xad: {  	s28 =	sadd.s32 $0x10, s28;
	[tilespmem:s26+$0x0] =	vst v2  }
0xae: {  	s30 =	sadd.s32 $0x10, s30;
	v2 =	vld [tilespmem:s28+$0x0]  }
0xaf: {  	s28 =	sand.u32 $0x3F0, s29  }
0xb0: {  	v3 =	vld [tilespmem:s28+$0x3F00];
	_ =	sdelay $0x1  }
0xb1: {  	v4 =	vld [tilespmem:s28+$0x4180]  }
0xb2: {  	v2 =	vadd.f32 $0.0e+00, v2  }
0xb3: {  	v5 =	vld [tilespmem:s28+$0x4400]  }
0xb4: {  	v2 =	vadd.f32 v3, v2  }
0xb5: {  	v3 =	vld [tilespmem:s28+$0x4680]  }
0xb6: {  	v2 =	vadd.f32 v4, v2  }
0xb7: {  	v56 =	vld [tilespmem:s28+$0x4900]  }
0xb8: {  	v2 =	vadd.f32 v5, v2  }
0xb9: {  	v57 =	vld [tilespmem:s28+$0x4B80]  }
0xba: {  	v2 =	vadd.f32 v3, v2  }
0xbb: {  	v3 =	vld [tilespmem:s28+$0x4E00]  }
0xbc: {  	v2 =	vadd.f32 v56, v2  }
0xbd: {  	v58 =	vld [tilespmem:s28+$0x5080]  }
0xbe: {  	v2 =	vadd.f32 v57, v2  }
0xbf: {  	v59 =	vld [tilespmem:s28+$0x5300]  }
0xc0: {  	v2 =	vadd.f32 v3, v2  }
0xc1: {  	v3 =	vld [tilespmem:s28+$0x5580]  }
0xc2: {  	v2 =	vadd.f32 v58, v2  }
0xc3: {  	v60 =	vld [tilespmem:s28+$0x5800]  }
0xc4: {  	v2 =	vadd.f32 v59, v2  }
0xc5: {  	v61 =	vld [tilespmem:s28+$0x5A80]  }
0xc6: {  	v2 =	vadd.f32 v3, v2  }
0xc7: {  	v3 =	vld [tilespmem:s28+$0x5D00]  }
0xc8: {  	v2 =	vadd.f32 v60, v2  }
0xc9: {  	v62 =	vld [tilespmem:s28+$0x5F80]  }
0xca: {  	v2 =	vadd.f32 v61, v2  }
0xcb: {  	v63 =	vld [tilespmem:s28+$0x6200]  }
0xcc: {  	v2 =	vadd.f32 v3, v2;
	_ =	sdelay $0x1  }
0xcd: {  	v2 =	vadd.f32 v62, v2;
	_ =	sdelay $0x1  }
0xce: {  	s25 =	sadd.s32 $0x1, s25;
	v2 =	vadd.f32 v63, v2  }
0xcf: {  	s26 =	sadd.s32 $0x10, s26;
	p0 =	sne.s32 s25, s22  }
.Ltmp3:
0xd0: {  	[tilespmem:s26+$0x0] =	vst v2;
	(pc) =	sbr.rel @p0 .LBB2_1-.Ltmp3, $4  }
0xd1: {  	[hbm4b:s21+s2] =	stream.linear.scatter [tilespmem:s1], [sflag:$0x1], $0x280, $0x38;
	[tilespmem:$0x8F00] =	vst v63  }
0xd2: {  	_ =	swait.ge [sflag:s23], $0x280  }
0xd3: {  	[sflag:s23] =	ssyncset.done $0x0  }
0xd4: {  	[sflag:s23] =	ssyncadd.s32 $0xFFFFFD80  }
0xd5: {  	_ =	sfence.sel $0x180000  }
0xd6: {  	[bflag:$0x0] =	sbarrier.arrive $0xFFFF  }
0xd7: {  	_ =	strace $0x90000047  }
0xd8: {  	s0 =	stileid.u32;
	[bflag:$0x2] =	sbarrier.arrive $0xFFFF  }
0xd9: {  	p0 =	sne.s32 s0, $0x0;
	s0 =	rddreg [dreg:$0x2]  }
0xda: {  	s0 =	sadd.s32 @!p0 $0x100000, s0  }
0xdb: {  	[sflag:s0] =	ssyncadd.tile.s32 @!p0 $0x1;
	_ =	shalt  }
.Lfunc_end2:
_tile_overlayer_lowered:
.L_overlay_start_2:
0xdc: {  	(tag) =	ssettag $0x2  }
0xdd: {  	s0 =	rddreg [dreg:$0x0];
	s2 =	stileid.u32  }
0xde: {  	s1 =	rddreg [dreg:$0x1];
	p0 =	sne.s32 s2, $0x0  }
0xdf: {  	s3 =	rddreg [dreg:$0x2];
	[bflag:$0x3] =	sbarrier.arrive $0xFFFF;
	s2 =	simm.s32 @!p0 $0x1C01  }
0xe0: {  	[timem:s3], [sflag:s2] =	dma.local @!p0 [hbm:s0], s1  }
0xe1: {  	s0 =	simm.s32 @!p0 $0x1  }
0xe2: {  	_ =	swait.ge @!p0 [sflag:s0], s1  }
0xe3: {  	s1 =	ssub.s32 @!p0 $0x0, s1;
	[sflag:s0] =	ssyncset.done @!p0 $0x0  }
0xe4: {  	[sflag:s0] =	ssyncadd.s32 @!p0 s1  }
0xe5: {  	[bflag:$0x3] =	sbarrier.arrive $0xFFFF  }
0xe6: {  	_ =	shalt  }

</sc_bundles>
